<compile_context>
chip_gen: v7x
topology: tpu7x:2x2x1
jax: 0.10.2.dev20260603
libtpu: 0.0.44.dev20260713+nightly
codegen_flags: <defaults>
</compile_context>

<pallas_src>
import functools

import jax
import jax.numpy as jnp
from jax import lax
from jax.experimental import pallas as pl
from jax.experimental.pallas import tpu as pltpu
from jax.experimental.pallas import tpu_sc as plsc

B = 16384
D = 32
NROWS = 1000000
BC = 32768
NB = (NROWS + BC - 1) // BC
NC = 2
NS = 16
NW = NC * NS
BPW = B // NW
NCHUNK = 4
CHUNK = BPW // NCHUNK
VPC = CHUNK // 16


def _proj_body(w_ref, ut_ref, mt_ref, pu_ref, pm_ref):
    wu = w_ref[0, :D].reshape(D, 1)
    wm = w_ref[0, D:].reshape(D, 1)
    pu_ref[...] = jnp.sum(ut_ref[...] * wu, axis=0)
    pm_ref[...] = jnp.sum(mt_ref[...] * wm, axis=0)


_proj_call = pl.pallas_call(
    _proj_body,
    grid=(NB,),
    in_specs=[
        pl.BlockSpec((1, 2 * D), lambda i: (0, 0)),
        pl.BlockSpec((D, BC), lambda i: (0, i)),
        pl.BlockSpec((D, BC), lambda i: (0, i)),
    ],
    out_specs=[
        pl.BlockSpec((BC,), lambda i: (i,)),
        pl.BlockSpec((BC,), lambda i: (i,)),
    ],
    out_shape=[
        jax.ShapeDtypeStruct((NROWS,), jnp.float32),
        jax.ShapeDtypeStruct((NROWS,), jnp.float32),
    ],
)


def _gather_body(users_hbm, movies_hbm, pu_hbm, pm_hbm, b_hbm, out_hbm,
                 uidx, midx, ubuf, mbuf, bv, outv, sems):
    c = lax.axis_index("c")
    s = lax.axis_index("s")
    wid = s * NC + c
    base = wid * BPW

    for j in range(NCHUNK):
        pltpu.sync_copy(users_hbm.at[pl.ds(base + j * CHUNK, CHUNK)],
                        uidx.at[j])
        pltpu.sync_copy(movies_hbm.at[pl.ds(base + j * CHUNK, CHUNK)],
                        midx.at[j])
    pltpu.sync_copy(b_hbm, bv)
    bsc = bv[pl.ds(0, 16)][0]

    def fire(j, ph):
        return (
            pltpu.async_copy(pu_hbm.at[uidx.at[j]], ubuf.at[ph],
                             sems.at[0, ph]),
            pltpu.async_copy(pm_hbm.at[midx.at[j]], mbuf.at[ph],
                             sems.at[1, ph]),
        )

    cps = fire(0, 0)
    for j in range(NCHUNK):
        nxt = fire(j + 1, (j + 1) % 2) if j + 1 < NCHUNK else None
        cps[0].wait()
        cps[1].wait()
        ph = j % 2
        for k in range(VPC):
            outv[pl.ds(j * CHUNK + k * 16, 16)] = (
                ubuf[ph, pl.ds(k * 16, 16)]
                + mbuf[ph, pl.ds(k * 16, 16)] + bsc)
        cps = nxt

    pltpu.sync_copy(outv, out_hbm.at[pl.ds(base, BPW)])


_gather_call = functools.partial(
    pl.kernel,
    out_type=jax.ShapeDtypeStruct((B,), jnp.float32),
    mesh=plsc.VectorSubcoreMesh(core_axis_name="c", subcore_axis_name="s"),
    scratch_types=[
        pltpu.VMEM((NCHUNK, CHUNK), jnp.int32),
        pltpu.VMEM((NCHUNK, CHUNK), jnp.int32),
        pltpu.VMEM((2, CHUNK), jnp.float32),
        pltpu.VMEM((2, CHUNK), jnp.float32),
        pltpu.VMEM((16,), jnp.float32),
        pltpu.VMEM((BPW,), jnp.float32),
        pltpu.SemaphoreType.DMA((2, 2)),
    ],
    compiler_params=pltpu.CompilerParams(
        needs_layout_passes=False, use_tc_tiling_on_sc=False),
)(_gather_body)


@jax.jit
def kernel(users, movies, user_table, movie_table, W, b):
    pu, pm = _proj_call(W, user_table.T, movie_table.T)
    bpad = jnp.zeros((16,), jnp.float32).at[0].set(b[0])
    out = _gather_call(users.astype(jnp.int32), movies.astype(jnp.int32),
                       pu, pm, bpad)
    return out.reshape(B, 1)

# --- scband reference (transcript-rebuilt; emitter-appended) ---
"""Pipeline reference for scband-rec-sys-model-37958920962352 (READ-ONLY COPY).

The authoritative reference and input builder live on the scoring server;
editing this copy changes nothing except your own understanding.
"""

import jax, jax.numpy as jnp
import numpy as np

N_USERS = 1000000
N_MOVIES = 1000000
EMBED_DIM = 32
BATCH = 16384

def setup_inputs(seed: int = 0) -> dict:
    key = jax.random.key(seed)
    k1, k2, k3, k4, k5, k6 = jax.random.split(key, 6)
    users = jax.random.randint(k1, (BATCH,), 0, N_USERS, dtype=jnp.int64 if jax.config.jax_enable_x64 else jnp.int32).astype(jnp.int32)
    movies = jax.random.randint(k2, (BATCH,), 0, N_MOVIES, dtype=jnp.int32)
    user_table = jax.random.normal(k3, (N_USERS, EMBED_DIM), dtype=jnp.float32)
    movie_table = jax.random.normal(k4, (N_MOVIES, EMBED_DIM), dtype=jnp.float32)
    # nn.Linear(64, 1): weight [1, 64], bias [1]
    W = jax.random.normal(k5, (1, 2 * EMBED_DIM), dtype=jnp.float32) * (1.0 / np.sqrt(2 * EMBED_DIM))
    b = jax.random.normal(k6, (1,), dtype=jnp.float32) * 0.01
    return {"users": users, "movies": movies, "user_table": user_table, "movie_table": movie_table, "W": W, "b": b}

def reference(users, movies, user_table, movie_table, W, b):
    user_embeds = jnp.take(user_table, users, axis=0)   # [B, 32]
    movie_embeds = jnp.take(movie_table, movies, axis=0)  # [B, 32]
    output = jnp.concatenate([user_embeds, movie_embeds], axis=1)  # [B, 64]
    output = output @ W.T + b  # [B, 1]
    return output

if __name__ == "__main__":
    import jax
    _d = setup_inputs()
    print(jax.jit(kernel)(*tuple(_d.values())))

</pallas_src>

<mosaic_0001>
#map = affine_map<(d0, d1) -> (0)>
module attributes {stable_mosaic.version = 14 : i64} {
  func.func @_gather_body(%arg0: i32, %arg1: i32, %arg2: memref<16384xi32, #tpu.memory_space<hbm>>, %arg3: memref<16384xi32, #tpu.memory_space<hbm>>, %arg4: memref<1000000xf32, #tpu.memory_space<hbm>>, %arg5: memref<1000000xf32, #tpu.memory_space<hbm>>, %arg6: memref<16xf32, #tpu.memory_space<hbm>>, %arg7: memref<16384xf32, #tpu.memory_space<hbm>>, %arg8: memref<4x128xi32, #tpu.memory_space<vmem>>, %arg9: memref<4x128xi32, #tpu.memory_space<vmem>>, %arg10: memref<2x128xf32, #tpu.memory_space<vmem>>, %arg11: memref<2x128xf32, #tpu.memory_space<vmem>>, %arg12: memref<16xf32, #tpu.memory_space<vmem>>, %arg13: memref<512xf32, #tpu.memory_space<vmem>>, %arg14: memref<2x2x!tpu.dma_semaphore, #tpu.memory_space<semaphore_mem>>) attributes {dimension_semantics = [#tpu.dimension_semantics<core_parallel>, #tpu.dimension_semantics<subcore_parallel>], iteration_bounds = array<i64: 2, 16>, scalar_prefetch = 0 : i64, scratch_operands = 7 : i64, tpu.core_type = #tpu.core_type<sc_vector_subcore>, window_params = [{transform_indices = #map}, {transform_indices = #map}, {transform_indices = #map}, {transform_indices = #map}, {transform_indices = #map}, {transform_indices = #map}]} {
    %mul3A = arith.constant 2 : i32
    %mul3A_0 = arith.muli %arg1, %mul3A : i32
    %add3A = arith.addi %mul3A_0, %arg0 : i32
    %mul3A_1 = arith.constant 512 : i32
    %mul3A_2 = arith.muli %add3A, %mul3A_1 : i32
    %add3A_3 = arith.constant 0 : i32
    %add3A_4 = arith.addi %mul3A_2, %add3A_3 : i32
    %run_scoped3A = arith.constant 0 : i32
    "tpu.region"() ({
      %run_scoped3A_664 = tpu.sem_alloc : memref<!tpu.dma_semaphore, #tpu.memory_space<semaphore_mem>>
      %dma_start3A_665 = arith.constant 0 : i32
      %dma_start3A_666 = tpu.memref_slice %arg8[%run_scoped3A, %dma_start3A_665] : memref<4x128xi32, #tpu.memory_space<vmem>> -> memref<1x128xi32, #tpu.memory_space<vmem>>
      %dma_start3A_667 = tpu.memref_squeeze %dma_start3A_666 : memref<1x128xi32, #tpu.memory_space<vmem>> -> memref<128xi32, #tpu.memory_space<vmem>>
      %dma_start3A_668 = tpu.memref_slice %arg2[%add3A_4] : memref<16384xi32, #tpu.memory_space<hbm>> -> memref<128xi32, #tpu.memory_space<hbm>>
      %dma_start3A_669 = arith.constant 0 : i32
      %dma_start3A_670 = tpu.memref_slice %arg8[%run_scoped3A, %dma_start3A_669] : memref<4x128xi32, #tpu.memory_space<vmem>> -> memref<1x128xi32, #tpu.memory_space<vmem>>
      %dma_start3A_671 = tpu.memref_squeeze %dma_start3A_670 : memref<1x128xi32, #tpu.memory_space<vmem>> -> memref<128xi32, #tpu.memory_space<vmem>>
      %dma_start3A_672 = tpu.memref_slice %arg2[%add3A_4] : memref<16384xi32, #tpu.memory_space<hbm>> -> memref<128xi32, #tpu.memory_space<hbm>>
      tpu.enqueue_dma source(%dma_start3A_672 : memref<128xi32, #tpu.memory_space<hbm>>) target(%dma_start3A_671 : memref<128xi32, #tpu.memory_space<vmem>>) target_semaphore(%run_scoped3A_664 : memref<!tpu.dma_semaphore, #tpu.memory_space<semaphore_mem>>)
      %dma_wait3A_673 = arith.constant 0 : i32
      %dma_wait3A_674 = tpu.memref_slice %arg8[%run_scoped3A, %dma_wait3A_673] : memref<4x128xi32, #tpu.memory_space<vmem>> -> memref<1x128xi32, #tpu.memory_space<vmem>>
      %dma_wait3A_675 = tpu.memref_squeeze %dma_wait3A_674 : memref<1x128xi32, #tpu.memory_space<vmem>> -> memref<128xi32, #tpu.memory_space<vmem>>
      %dma_wait3A_676 = tpu.memref_slice %arg2[%add3A_4] : memref<16384xi32, #tpu.memory_space<hbm>> -> memref<128xi32, #tpu.memory_space<hbm>>
      %dma_wait3A_677 = arith.constant 0 : i32
      %dma_wait3A_678 = tpu.memref_slice %arg8[%run_scoped3A, %dma_wait3A_677] : memref<4x128xi32, #tpu.memory_space<vmem>> -> memref<1x128xi32, #tpu.memory_space<vmem>>
      %dma_wait3A_679 = tpu.memref_squeeze %dma_wait3A_678 : memref<1x128xi32, #tpu.memory_space<vmem>> -> memref<128xi32, #tpu.memory_space<vmem>>
      %dma_wait3A_680 = tpu.memref_slice %arg2[%add3A_4] : memref<16384xi32, #tpu.memory_space<hbm>> -> memref<128xi32, #tpu.memory_space<hbm>>
      tpu.wait_dma2 semaphore(%run_scoped3A_664 : memref<!tpu.dma_semaphore, #tpu.memory_space<semaphore_mem>>) src(%dma_wait3A_680 : memref<128xi32, #tpu.memory_space<hbm>>) dst(%dma_wait3A_679 : memref<128xi32, #tpu.memory_space<vmem>>)
      tpu.yield
    }) : () -> ()
    %add3A_5 = arith.constant 0 : i32
    %add3A_6 = arith.addi %mul3A_2, %add3A_5 : i32
    %run_scoped3A_7 = arith.constant 0 : i32
    "tpu.region"() ({
      %run_scoped3A_664 = tpu.sem_alloc : memref<!tpu.dma_semaphore, #tpu.memory_space<semaphore_mem>>
      %dma_start3A_665 = arith.constant 0 : i32
      %dma_start3A_666 = tpu.memref_slice %arg9[%run_scoped3A_7, %dma_start3A_665] : memref<4x128xi32, #tpu.memory_space<vmem>> -> memref<1x128xi32, #tpu.memory_space<vmem>>
      %dma_start3A_667 = tpu.memref_squeeze %dma_start3A_666 : memref<1x128xi32, #tpu.memory_space<vmem>> -> memref<128xi32, #tpu.memory_space<vmem>>
      %dma_start3A_668 = tpu.memref_slice %arg3[%add3A_6] : memref<16384xi32, #tpu.memory_space<hbm>> -> memref<128xi32, #tpu.memory_space<hbm>>
      %dma_start3A_669 = arith.constant 0 : i32
      %dma_start3A_670 = tpu.memref_slice %arg9[%run_scoped3A_7, %dma_start3A_669] : memref<4x128xi32, #tpu.memory_space<vmem>> -> memref<1x128xi32, #tpu.memory_space<vmem>>
      %dma_start3A_671 = tpu.memref_squeeze %dma_start3A_670 : memref<1x128xi32, #tpu.memory_space<vmem>> -> memref<128xi32, #tpu.memory_space<vmem>>
      %dma_start3A_672 = tpu.memref_slice %arg3[%add3A_6] : memref<16384xi32, #tpu.memory_space<hbm>> -> memref<128xi32, #tpu.memory_space<hbm>>
      tpu.enqueue_dma source(%dma_start3A_672 : memref<128xi32, #tpu.memory_space<hbm>>) target(%dma_start3A_671 : memref<128xi32, #tpu.memory_space<vmem>>) target_semaphore(%run_scoped3A_664 : memref<!tpu.dma_semaphore, #tpu.memory_space<semaphore_mem>>)
      %dma_wait3A_673 = arith.constant 0 : i32
      %dma_wait3A_674 = tpu.memref_slice %arg9[%run_scoped3A_7, %dma_wait3A_673] : memref<4x128xi32, #tpu.memory_space<vmem>> -> memref<1x128xi32, #tpu.memory_space<vmem>>
      %dma_wait3A_675 = tpu.memref_squeeze %dma_wait3A_674 : memref<1x128xi32, #tpu.memory_space<vmem>> -> memref<128xi32, #tpu.memory_space<vmem>>
      %dma_wait3A_676 = tpu.memref_slice %arg3[%add3A_6] : memref<16384xi32, #tpu.memory_space<hbm>> -> memref<128xi32, #tpu.memory_space<hbm>>
      %dma_wait3A_677 = arith.constant 0 : i32
      %dma_wait3A_678 = tpu.memref_slice %arg9[%run_scoped3A_7, %dma_wait3A_677] : memref<4x128xi32, #tpu.memory_space<vmem>> -> memref<1x128xi32, #tpu.memory_space<vmem>>
      %dma_wait3A_679 = tpu.memref_squeeze %dma_wait3A_678 : memref<1x128xi32, #tpu.memory_space<vmem>> -> memref<128xi32, #tpu.memory_space<vmem>>
      %dma_wait3A_680 = tpu.memref_slice %arg3[%add3A_6] : memref<16384xi32, #tpu.memory_space<hbm>> -> memref<128xi32, #tpu.memory_space<hbm>>
      tpu.wait_dma2 semaphore(%run_scoped3A_664 : memref<!tpu.dma_semaphore, #tpu.memory_space<semaphore_mem>>) src(%dma_wait3A_680 : memref<128xi32, #tpu.memory_space<hbm>>) dst(%dma_wait3A_679 : memref<128xi32, #tpu.memory_space<vmem>>)
      tpu.yield
    }) : () -> ()
    %add3A_8 = arith.constant 128 : i32
    %add3A_9 = arith.addi %mul3A_2, %add3A_8 : i32
    %run_scoped3A_10 = arith.constant 1 : i32
    "tpu.region"() ({
      %run_scoped3A_664 = tpu.sem_alloc : memref<!tpu.dma_semaphore, #tpu.memory_space<semaphore_mem>>
      %dma_start3A_665 = arith.constant 0 : i32
      %dma_start3A_666 = tpu.memref_slice %arg8[%run_scoped3A_10, %dma_start3A_665] : memref<4x128xi32, #tpu.memory_space<vmem>> -> memref<1x128xi32, #tpu.memory_space<vmem>>
      %dma_start3A_667 = tpu.memref_squeeze %dma_start3A_666 : memref<1x128xi32, #tpu.memory_space<vmem>> -> memref<128xi32, #tpu.memory_space<vmem>>
      %dma_start3A_668 = tpu.memref_slice %arg2[%add3A_9] : memref<16384xi32, #tpu.memory_space<hbm>> -> memref<128xi32, #tpu.memory_space<hbm>>
      %dma_start3A_669 = arith.constant 0 : i32
      %dma_start3A_670 = tpu.memref_slice %arg8[%run_scoped3A_10, %dma_start3A_669] : memref<4x128xi32, #tpu.memory_space<vmem>> -> memref<1x128xi32, #tpu.memory_space<vmem>>
      %dma_start3A_671 = tpu.memref_squeeze %dma_start3A_670 : memref<1x128xi32, #tpu.memory_space<vmem>> -> memref<128xi32, #tpu.memory_space<vmem>>
      %dma_start3A_672 = tpu.memref_slice %arg2[%add3A_9] : memref<16384xi32, #tpu.memory_space<hbm>> -> memref<128xi32, #tpu.memory_space<hbm>>
      tpu.enqueue_dma source(%dma_start3A_672 : memref<128xi32, #tpu.memory_space<hbm>>) target(%dma_start3A_671 : memref<128xi32, #tpu.memory_space<vmem>>) target_semaphore(%run_scoped3A_664 : memref<!tpu.dma_semaphore, #tpu.memory_space<semaphore_mem>>)
      %dma_wait3A_673 = arith.constant 0 : i32
      %dma_wait3A_674 = tpu.memref_slice %arg8[%run_scoped3A_10, %dma_wait3A_673] : memref<4x128xi32, #tpu.memory_space<vmem>> -> memref<1x128xi32, #tpu.memory_space<vmem>>
      %dma_wait3A_675 = tpu.memref_squeeze %dma_wait3A_674 : memref<1x128xi32, #tpu.memory_space<vmem>> -> memref<128xi32, #tpu.memory_space<vmem>>
      %dma_wait3A_676 = tpu.memref_slice %arg2[%add3A_9] : memref<16384xi32, #tpu.memory_space<hbm>> -> memref<128xi32, #tpu.memory_space<hbm>>
      %dma_wait3A_677 = arith.constant 0 : i32
      %dma_wait3A_678 = tpu.memref_slice %arg8[%run_scoped3A_10, %dma_wait3A_677] : memref<4x128xi32, #tpu.memory_space<vmem>> -> memref<1x128xi32, #tpu.memory_space<vmem>>
      %dma_wait3A_679 = tpu.memref_squeeze %dma_wait3A_678 : memref<1x128xi32, #tpu.memory_space<vmem>> -> memref<128xi32, #tpu.memory_space<vmem>>
      %dma_wait3A_680 = tpu.memref_slice %arg2[%add3A_9] : memref<16384xi32, #tpu.memory_space<hbm>> -> memref<128xi32, #tpu.memory_space<hbm>>
      tpu.wait_dma2 semaphore(%run_scoped3A_664 : memref<!tpu.dma_semaphore, #tpu.memory_space<semaphore_mem>>) src(%dma_wait3A_680 : memref<128xi32, #tpu.memory_space<hbm>>) dst(%dma_wait3A_679 : memref<128xi32, #tpu.memory_space<vmem>>)
      tpu.yield
    }) : () -> ()
    %add3A_11 = arith.constant 128 : i32
    %add3A_12 = arith.addi %mul3A_2, %add3A_11 : i32
    %run_scoped3A_13 = arith.constant 1 : i32
    "tpu.region"() ({
      %run_scoped3A_664 = tpu.sem_alloc : memref<!tpu.dma_semaphore, #tpu.memory_space<semaphore_mem>>
      %dma_start3A_665 = arith.constant 0 : i32
      %dma_start3A_666 = tpu.memref_slice %arg9[%run_scoped3A_13, %dma_start3A_665] : memref<4x128xi32, #tpu.memory_space<vmem>> -> memref<1x128xi32, #tpu.memory_space<vmem>>
      %dma_start3A_667 = tpu.memref_squeeze %dma_start3A_666 : memref<1x128xi32, #tpu.memory_space<vmem>> -> memref<128xi32, #tpu.memory_space<vmem>>
      %dma_start3A_668 = tpu.memref_slice %arg3[%add3A_12] : memref<16384xi32, #tpu.memory_space<hbm>> -> memref<128xi32, #tpu.memory_space<hbm>>
      %dma_start3A_669 = arith.constant 0 : i32
      %dma_start3A_670 = tpu.memref_slice %arg9[%run_scoped3A_13, %dma_start3A_669] : memref<4x128xi32, #tpu.memory_space<vmem>> -> memref<1x128xi32, #tpu.memory_space<vmem>>
      %dma_start3A_671 = tpu.memref_squeeze %dma_start3A_670 : memref<1x128xi32, #tpu.memory_space<vmem>> -> memref<128xi32, #tpu.memory_space<vmem>>
      %dma_start3A_672 = tpu.memref_slice %arg3[%add3A_12] : memref<16384xi32, #tpu.memory_space<hbm>> -> memref<128xi32, #tpu.memory_space<hbm>>
      tpu.enqueue_dma source(%dma_start3A_672 : memref<128xi32, #tpu.memory_space<hbm>>) target(%dma_start3A_671 : memref<128xi32, #tpu.memory_space<vmem>>) target_semaphore(%run_scoped3A_664 : memref<!tpu.dma_semaphore, #tpu.memory_space<semaphore_mem>>)
      %dma_wait3A_673 = arith.constant 0 : i32
      %dma_wait3A_674 = tpu.memref_slice %arg9[%run_scoped3A_13, %dma_wait3A_673] : memref<4x128xi32, #tpu.memory_space<vmem>> -> memref<1x128xi32, #tpu.memory_space<vmem>>
      %dma_wait3A_675 = tpu.memref_squeeze %dma_wait3A_674 : memref<1x128xi32, #tpu.memory_space<vmem>> -> memref<128xi32, #tpu.memory_space<vmem>>
      %dma_wait3A_676 = tpu.memref_slice %arg3[%add3A_12] : memref<16384xi32, #tpu.memory_space<hbm>> -> memref<128xi32, #tpu.memory_space<hbm>>
      %dma_wait3A_677 = arith.constant 0 : i32
      %dma_wait3A_678 = tpu.memref_slice %arg9[%run_scoped3A_13, %dma_wait3A_677] : memref<4x128xi32, #tpu.memory_space<vmem>> -> memref<1x128xi32, #tpu.memory_space<vmem>>
      %dma_wait3A_679 = tpu.memref_squeeze %dma_wait3A_678 : memref<1x128xi32, #tpu.memory_space<vmem>> -> memref<128xi32, #tpu.memory_space<vmem>>
      %dma_wait3A_680 = tpu.memref_slice %arg3[%add3A_12] : memref<16384xi32, #tpu.memory_space<hbm>> -> memref<128xi32, #tpu.memory_space<hbm>>
      tpu.wait_dma2 semaphore(%run_scoped3A_664 : memref<!tpu.dma_semaphore, #tpu.memory_space<semaphore_mem>>) src(%dma_wait3A_680 : memref<128xi32, #tpu.memory_space<hbm>>) dst(%dma_wait3A_679 : memref<128xi32, #tpu.memory_space<vmem>>)
      tpu.yield
    }) : () -> ()
    %add3A_14 = arith.constant 256 : i32
    %add3A_15 = arith.addi %mul3A_2, %add3A_14 : i32
    %run_scoped3A_16 = arith.constant 2 : i32
    "tpu.region"() ({
      %run_scoped3A_664 = tpu.sem_alloc : memref<!tpu.dma_semaphore, #tpu.memory_space<semaphore_mem>>
      %dma_start3A_665 = arith.constant 0 : i32
      %dma_start3A_666 = tpu.memref_slice %arg8[%run_scoped3A_16, %dma_start3A_665] : memref<4x128xi32, #tpu.memory_space<vmem>> -> memref<1x128xi32, #tpu.memory_space<vmem>>
      %dma_start3A_667 = tpu.memref_squeeze %dma_start3A_666 : memref<1x128xi32, #tpu.memory_space<vmem>> -> memref<128xi32, #tpu.memory_space<vmem>>
      %dma_start3A_668 = tpu.memref_slice %arg2[%add3A_15] : memref<16384xi32, #tpu.memory_space<hbm>> -> memref<128xi32, #tpu.memory_space<hbm>>
      %dma_start3A_669 = arith.constant 0 : i32
      %dma_start3A_670 = tpu.memref_slice %arg8[%run_scoped3A_16, %dma_start3A_669] : memref<4x128xi32, #tpu.memory_space<vmem>> -> memref<1x128xi32, #tpu.memory_space<vmem>>
      %dma_start3A_671 = tpu.memref_squeeze %dma_start3A_670 : memref<1x128xi32, #tpu.memory_space<vmem>> -> memref<128xi32, #tpu.memory_space<vmem>>
      %dma_start3A_672 = tpu.memref_slice %arg2[%add3A_15] : memref<16384xi32, #tpu.memory_space<hbm>> -> memref<128xi32, #tpu.memory_space<hbm>>
      tpu.enqueue_dma source(%dma_start3A_672 : memref<128xi32, #tpu.memory_space<hbm>>) target(%dma_start3A_671 : memref<128xi32, #tpu.memory_space<vmem>>) target_semaphore(%run_scoped3A_664 : memref<!tpu.dma_semaphore, #tpu.memory_space<semaphore_mem>>)
      %dma_wait3A_673 = arith.constant 0 : i32
      %dma_wait3A_674 = tpu.memref_slice %arg8[%run_scoped3A_16, %dma_wait3A_673] : memref<4x128xi32, #tpu.memory_space<vmem>> -> memref<1x128xi32, #tpu.memory_space<vmem>>
      %dma_wait3A_675 = tpu.memref_squeeze %dma_wait3A_674 : memref<1x128xi32, #tpu.memory_space<vmem>> -> memref<128xi32, #tpu.memory_space<vmem>>
      %dma_wait3A_676 = tpu.memref_slice %arg2[%add3A_15] : memref<16384xi32, #tpu.memory_space<hbm>> -> memref<128xi32, #tpu.memory_space<hbm>>
      %dma_wait3A_677 = arith.constant 0 : i32
      %dma_wait3A_678 = tpu.memref_slice %arg8[%run_scoped3A_16, %dma_wait3A_677] : memref<4x128xi32, #tpu.memory_space<vmem>> -> memref<1x128xi32, #tpu.memory_space<vmem>>
      %dma_wait3A_679 = tpu.memref_squeeze %dma_wait3A_678 : memref<1x128xi32, #tpu.memory_space<vmem>> -> memref<128xi32, #tpu.memory_space<vmem>>
      %dma_wait3A_680 = tpu.memref_slice %arg2[%add3A_15] : memref<16384xi32, #tpu.memory_space<hbm>> -> memref<128xi32, #tpu.memory_space<hbm>>
      tpu.wait_dma2 semaphore(%run_scoped3A_664 : memref<!tpu.dma_semaphore, #tpu.memory_space<semaphore_mem>>) src(%dma_wait3A_680 : memref<128xi32, #tpu.memory_space<hbm>>) dst(%dma_wait3A_679 : memref<128xi32, #tpu.memory_space<vmem>>)
      tpu.yield
    }) : () -> ()
    %add3A_17 = arith.constant 256 : i32
    %add3A_18 = arith.addi %mul3A_2, %add3A_17 : i32
    %run_scoped3A_19 = arith.constant 2 : i32
    "tpu.region"() ({
      %run_scoped3A_664 = tpu.sem_alloc : memref<!tpu.dma_semaphore, #tpu.memory_space<semaphore_mem>>
      %dma_start3A_665 = arith.constant 0 : i32
      %dma_start3A_666 = tpu.memref_slice %arg9[%run_scoped3A_19, %dma_start3A_665] : memref<4x128xi32, #tpu.memory_space<vmem>> -> memref<1x128xi32, #tpu.memory_space<vmem>>
      %dma_start3A_667 = tpu.memref_squeeze %dma_start3A_666 : memref<1x128xi32, #tpu.memory_space<vmem>> -> memref<128xi32, #tpu.memory_space<vmem>>
      %dma_start3A_668 = tpu.memref_slice %arg3[%add3A_18] : memref<16384xi32, #tpu.memory_space<hbm>> -> memref<128xi32, #tpu.memory_space<hbm>>
      %dma_start3A_669 = arith.constant 0 : i32
      %dma_start3A_670 = tpu.memref_slice %arg9[%run_scoped3A_19, %dma_start3A_669] : memref<4x128xi32, #tpu.memory_space<vmem>> -> memref<1x128xi32, #tpu.memory_space<vmem>>
      %dma_start3A_671 = tpu.memref_squeeze %dma_start3A_670 : memref<1x128xi32, #tpu.memory_space<vmem>> -> memref<128xi32, #tpu.memory_space<vmem>>
      %dma_start3A_672 = tpu.memref_slice %arg3[%add3A_18] : memref<16384xi32, #tpu.memory_space<hbm>> -> memref<128xi32, #tpu.memory_space<hbm>>
      tpu.enqueue_dma source(%dma_start3A_672 : memref<128xi32, #tpu.memory_space<hbm>>) target(%dma_start3A_671 : memref<128xi32, #tpu.memory_space<vmem>>) target_semaphore(%run_scoped3A_664 : memref<!tpu.dma_semaphore, #tpu.memory_space<semaphore_mem>>)
      %dma_wait3A_673 = arith.constant 0 : i32
      %dma_wait3A_674 = tpu.memref_slice %arg9[%run_scoped3A_19, %dma_wait3A_673] : memref<4x128xi32, #tpu.memory_space<vmem>> -> memref<1x128xi32, #tpu.memory_space<vmem>>
      %dma_wait3A_675 = tpu.memref_squeeze %dma_wait3A_674 : memref<1x128xi32, #tpu.memory_space<vmem>> -> memref<128xi32, #tpu.memory_space<vmem>>
      %dma_wait3A_676 = tpu.memref_slice %arg3[%add3A_18] : memref<16384xi32, #tpu.memory_space<hbm>> -> memref<128xi32, #tpu.memory_space<hbm>>
      %dma_wait3A_677 = arith.constant 0 : i32
      %dma_wait3A_678 = tpu.memref_slice %arg9[%run_scoped3A_19, %dma_wait3A_677] : memref<4x128xi32, #tpu.memory_space<vmem>> -> memref<1x128xi32, #tpu.memory_space<vmem>>
      %dma_wait3A_679 = tpu.memref_squeeze %dma_wait3A_678 : memref<1x128xi32, #tpu.memory_space<vmem>> -> memref<128xi32, #tpu.memory_space<vmem>>
      %dma_wait3A_680 = tpu.memref_slice %arg3[%add3A_18] : memref<16384xi32, #tpu.memory_space<hbm>> -> memref<128xi32, #tpu.memory_space<hbm>>
      tpu.wait_dma2 semaphore(%run_scoped3A_664 : memref<!tpu.dma_semaphore, #tpu.memory_space<semaphore_mem>>) src(%dma_wait3A_680 : memref<128xi32, #tpu.memory_space<hbm>>) dst(%dma_wait3A_679 : memref<128xi32, #tpu.memory_space<vmem>>)
      tpu.yield
    }) : () -> ()
    %add3A_20 = arith.constant 384 : i32
    %add3A_21 = arith.addi %mul3A_2, %add3A_20 : i32
    %run_scoped3A_22 = arith.constant 3 : i32
    "tpu.region"() ({
      %run_scoped3A_664 = tpu.sem_alloc : memref<!tpu.dma_semaphore, #tpu.memory_space<semaphore_mem>>
      %dma_start3A_665 = arith.constant 0 : i32
      %dma_start3A_666 = tpu.memref_slice %arg8[%run_scoped3A_22, %dma_start3A_665] : memref<4x128xi32, #tpu.memory_space<vmem>> -> memref<1x128xi32, #tpu.memory_space<vmem>>
      %dma_start3A_667 = tpu.memref_squeeze %dma_start3A_666 : memref<1x128xi32, #tpu.memory_space<vmem>> -> memref<128xi32, #tpu.memory_space<vmem>>
      %dma_start3A_668 = tpu.memref_slice %arg2[%add3A_21] : memref<16384xi32, #tpu.memory_space<hbm>> -> memref<128xi32, #tpu.memory_space<hbm>>
      %dma_start3A_669 = arith.constant 0 : i32
      %dma_start3A_670 = tpu.memref_slice %arg8[%run_scoped3A_22, %dma_start3A_669] : memref<4x128xi32, #tpu.memory_space<vmem>> -> memref<1x128xi32, #tpu.memory_space<vmem>>
      %dma_start3A_671 = tpu.memref_squeeze %dma_start3A_670 : memref<1x128xi32, #tpu.memory_space<vmem>> -> memref<128xi32, #tpu.memory_space<vmem>>
      %dma_start3A_672 = tpu.memref_slice %arg2[%add3A_21] : memref<16384xi32, #tpu.memory_space<hbm>> -> memref<128xi32, #tpu.memory_space<hbm>>
      tpu.enqueue_dma source(%dma_start3A_672 : memref<128xi32, #tpu.memory_space<hbm>>) target(%dma_start3A_671 : memref<128xi32, #tpu.memory_space<vmem>>) target_semaphore(%run_scoped3A_664 : memref<!tpu.dma_semaphore, #tpu.memory_space<semaphore_mem>>)
      %dma_wait3A_673 = arith.constant 0 : i32
      %dma_wait3A_674 = tpu.memref_slice %arg8[%run_scoped3A_22, %dma_wait3A_673] : memref<4x128xi32, #tpu.memory_space<vmem>> -> memref<1x128xi32, #tpu.memory_space<vmem>>
      %dma_wait3A_675 = tpu.memref_squeeze %dma_wait3A_674 : memref<1x128xi32, #tpu.memory_space<vmem>> -> memref<128xi32, #tpu.memory_space<vmem>>
      %dma_wait3A_676 = tpu.memref_slice %arg2[%add3A_21] : memref<16384xi32, #tpu.memory_space<hbm>> -> memref<128xi32, #tpu.memory_space<hbm>>
      %dma_wait3A_677 = arith.constant 0 : i32
      %dma_wait3A_678 = tpu.memref_slice %arg8[%run_scoped3A_22, %dma_wait3A_677] : memref<4x128xi32, #tpu.memory_space<vmem>> -> memref<1x128xi32, #tpu.memory_space<vmem>>
      %dma_wait3A_679 = tpu.memref_squeeze %dma_wait3A_678 : memref<1x128xi32, #tpu.memory_space<vmem>> -> memref<128xi32, #tpu.memory_space<vmem>>
      %dma_wait3A_680 = tpu.memref_slice %arg2[%add3A_21] : memref<16384xi32, #tpu.memory_space<hbm>> -> memref<128xi32, #tpu.memory_space<hbm>>
      tpu.wait_dma2 semaphore(%run_scoped3A_664 : memref<!tpu.dma_semaphore, #tpu.memory_space<semaphore_mem>>) src(%dma_wait3A_680 : memref<128xi32, #tpu.memory_space<hbm>>) dst(%dma_wait3A_679 : memref<128xi32, #tpu.memory_space<vmem>>)
      tpu.yield
    }) : () -> ()
    %add3A_23 = arith.constant 384 : i32
    %add3A_24 = arith.addi %mul3A_2, %add3A_23 : i32
    %run_scoped3A_25 = arith.constant 3 : i32
    "tpu.region"() ({
      %run_scoped3A_664 = tpu.sem_alloc : memref<!tpu.dma_semaphore, #tpu.memory_space<semaphore_mem>>
      %dma_start3A_665 = arith.constant 0 : i32
      %dma_start3A_666 = tpu.memref_slice %arg9[%run_scoped3A_25, %dma_start3A_665] : memref<4x128xi32, #tpu.memory_space<vmem>> -> memref<1x128xi32, #tpu.memory_space<vmem>>
      %dma_start3A_667 = tpu.memref_squeeze %dma_start3A_666 : memref<1x128xi32, #tpu.memory_space<vmem>> -> memref<128xi32, #tpu.memory_space<vmem>>
      %dma_start3A_668 = tpu.memref_slice %arg3[%add3A_24] : memref<16384xi32, #tpu.memory_space<hbm>> -> memref<128xi32, #tpu.memory_space<hbm>>
      %dma_start3A_669 = arith.constant 0 : i32
      %dma_start3A_670 = tpu.memref_slice %arg9[%run_scoped3A_25, %dma_start3A_669] : memref<4x128xi32, #tpu.memory_space<vmem>> -> memref<1x128xi32, #tpu.memory_space<vmem>>
      %dma_start3A_671 = tpu.memref_squeeze %dma_start3A_670 : memref<1x128xi32, #tpu.memory_space<vmem>> -> memref<128xi32, #tpu.memory_space<vmem>>
      %dma_start3A_672 = tpu.memref_slice %arg3[%add3A_24] : memref<16384xi32, #tpu.memory_space<hbm>> -> memref<128xi32, #tpu.memory_space<hbm>>
      tpu.enqueue_dma source(%dma_start3A_672 : memref<128xi32, #tpu.memory_space<hbm>>) target(%dma_start3A_671 : memref<128xi32, #tpu.memory_space<vmem>>) target_semaphore(%run_scoped3A_664 : memref<!tpu.dma_semaphore, #tpu.memory_space<semaphore_mem>>)
      %dma_wait3A_673 = arith.constant 0 : i32
      %dma_wait3A_674 = tpu.memref_slice %arg9[%run_scoped3A_25, %dma_wait3A_673] : memref<4x128xi32, #tpu.memory_space<vmem>> -> memref<1x128xi32, #tpu.memory_space<vmem>>
      %dma_wait3A_675 = tpu.memref_squeeze %dma_wait3A_674 : memref<1x128xi32, #tpu.memory_space<vmem>> -> memref<128xi32, #tpu.memory_space<vmem>>
      %dma_wait3A_676 = tpu.memref_slice %arg3[%add3A_24] : memref<16384xi32, #tpu.memory_space<hbm>> -> memref<128xi32, #tpu.memory_space<hbm>>
      %dma_wait3A_677 = arith.constant 0 : i32
      %dma_wait3A_678 = tpu.memref_slice %arg9[%run_scoped3A_25, %dma_wait3A_677] : memref<4x128xi32, #tpu.memory_space<vmem>> -> memref<1x128xi32, #tpu.memory_space<vmem>>
      %dma_wait3A_679 = tpu.memref_squeeze %dma_wait3A_678 : memref<1x128xi32, #tpu.memory_space<vmem>> -> memref<128xi32, #tpu.memory_space<vmem>>
      %dma_wait3A_680 = tpu.memref_slice %arg3[%add3A_24] : memref<16384xi32, #tpu.memory_space<hbm>> -> memref<128xi32, #tpu.memory_space<hbm>>
      tpu.wait_dma2 semaphore(%run_scoped3A_664 : memref<!tpu.dma_semaphore, #tpu.memory_space<semaphore_mem>>) src(%dma_wait3A_680 : memref<128xi32, #tpu.memory_space<hbm>>) dst(%dma_wait3A_679 : memref<128xi32, #tpu.memory_space<vmem>>)
      tpu.yield
    }) : () -> ()
    "tpu.region"() ({
      %run_scoped3A_664 = tpu.sem_alloc : memref<!tpu.dma_semaphore, #tpu.memory_space<semaphore_mem>>
      tpu.enqueue_dma source(%arg6 : memref<16xf32, #tpu.memory_space<hbm>>) target(%arg12 : memref<16xf32, #tpu.memory_space<vmem>>) target_semaphore(%run_scoped3A_664 : memref<!tpu.dma_semaphore, #tpu.memory_space<semaphore_mem>>)
      tpu.wait_dma2 semaphore(%run_scoped3A_664 : memref<!tpu.dma_semaphore, #tpu.memory_space<semaphore_mem>>) src(%arg6 : memref<16xf32, #tpu.memory_space<hbm>>) dst(%arg12 : memref<16xf32, #tpu.memory_space<vmem>>)
      tpu.yield
    }) : () -> ()
    %get3A = arith.constant 0 : index
    %get3A_26 = tpu.vector_load %arg12[%get3A] {strides = array<i32>} : memref<16xf32, #tpu.memory_space<vmem>>, vector<16xf32>,
    %slice3A = vector.extract_strided_slice %get3A_26 {offsets = [0], sizes = [1], strides = [1]} : vector<16xf32> to vector<1xf32>
    %squeeze3A = vector.extract %slice3A[0] : f32 from vector<1xf32>
    %dma_start3A = arith.constant 0 : i32
    %dma_start3A_27 = arith.constant 0 : i32
    %dma_start3A_28 = arith.constant 0 : i32
    %dma_start3A_29 = arith.constant 0 : i32
    %dma_start3A_30 = arith.constant 0 : i32
    %dma_start3A_31 = tpu.memref_slice %arg10[%dma_start3A_27, %dma_start3A_30] : memref<2x128xf32, #tpu.memory_space<vmem>> -> memref<1x128xf32, #tpu.memory_space<vmem>>
    %dma_start3A_32 = tpu.memref_squeeze %dma_start3A_31 : memref<1x128xf32, #tpu.memory_space<vmem>> -> memref<128xf32, #tpu.memory_space<vmem>>
    %dma_start3A_33 = arith.constant 0 : i32
    %dma_start3A_34 = tpu.memref_slice %arg8[%dma_start3A, %dma_start3A_33] : memref<4x128xi32, #tpu.memory_space<vmem>> -> memref<1x128xi32, #tpu.memory_space<vmem>>
    %dma_start3A_35 = tpu.memref_squeeze %dma_start3A_34 : memref<1x128xi32, #tpu.memory_space<vmem>> -> memref<128xi32, #tpu.memory_space<vmem>>
    %dma_start3A_36 = arith.constant 0 : i32
    %dma_start3A_37 = tpu.memref_slice %arg4[%dma_start3A_36] : memref<1000000xf32, #tpu.memory_space<hbm>> -> memref<1000000xf32, #tpu.memory_space<hbm>>
    %dma_start3A_38 = tpu.memref_slice %arg14[%dma_start3A_28, %dma_start3A_29] : memref<2x2x!tpu.dma_semaphore, #tpu.memory_space<semaphore_mem>> -> memref<1x1x!tpu.dma_semaphore, #tpu.memory_space<semaphore_mem>>
    %dma_start3A_39 = tpu.memref_squeeze %dma_start3A_38 : memref<1x1x!tpu.dma_semaphore, #tpu.memory_space<semaphore_mem>> -> memref<!tpu.dma_semaphore, #tpu.memory_space<semaphore_mem>>
    tpu.enqueue_indirect_dma source(%dma_start3A_37 : memref<1000000xf32, #tpu.memory_space<hbm>>) target(%dma_start3A_32 : memref<128xf32, #tpu.memory_space<vmem>>) offsets(%dma_start3A_35 : memref<128xi32, #tpu.memory_space<vmem>>) semaphore(%dma_start3A_39 : memref<!tpu.dma_semaphore, #tpu.memory_space<semaphore_mem>>)
    %dma_start3A_40 = arith.constant 0 : i32
    %dma_start3A_41 = arith.constant 0 : i32
    %dma_start3A_42 = arith.constant 1 : i32
    %dma_start3A_43 = arith.constant 0 : i32
    %dma_start3A_44 = arith.constant 0 : i32
    %dma_start3A_45 = tpu.memref_slice %arg11[%dma_start3A_41, %dma_start3A_44] : memref<2x128xf32, #tpu.memory_space<vmem>> -> memref<1x128xf32, #tpu.memory_space<vmem>>
    %dma_start3A_46 = tpu.memref_squeeze %dma_start3A_45 : memref<1x128xf32, #tpu.memory_space<vmem>> -> memref<128xf32, #tpu.memory_space<vmem>>
    %dma_start3A_47 = arith.constant 0 : i32
    %dma_start3A_48 = tpu.memref_slice %arg9[%dma_start3A_40, %dma_start3A_47] : memref<4x128xi32, #tpu.memory_space<vmem>> -> memref<1x128xi32, #tpu.memory_space<vmem>>
    %dma_start3A_49 = tpu.memref_squeeze %dma_start3A_48 : memref<1x128xi32, #tpu.memory_space<vmem>> -> memref<128xi32, #tpu.memory_space<vmem>>
    %dma_start3A_50 = arith.constant 0 : i32
    %dma_start3A_51 = tpu.memref_slice %arg5[%dma_start3A_50] : memref<1000000xf32, #tpu.memory_space<hbm>> -> memref<1000000xf32, #tpu.memory_space<hbm>>
    %dma_start3A_52 = tpu.memref_slice %arg14[%dma_start3A_42, %dma_start3A_43] : memref<2x2x!tpu.dma_semaphore, #tpu.memory_space<semaphore_mem>> -> memref<1x1x!tpu.dma_semaphore, #tpu.memory_space<semaphore_mem>>
    %dma_start3A_53 = tpu.memref_squeeze %dma_start3A_52 : memref<1x1x!tpu.dma_semaphore, #tpu.memory_space<semaphore_mem>> -> memref<!tpu.dma_semaphore, #tpu.memory_space<semaphore_mem>>
    tpu.enqueue_indirect_dma source(%dma_start3A_51 : memref<1000000xf32, #tpu.memory_space<hbm>>) target(%dma_start3A_46 : memref<128xf32, #tpu.memory_space<vmem>>) offsets(%dma_start3A_49 : memref<128xi32, #tpu.memory_space<vmem>>) semaphore(%dma_start3A_53 : memref<!tpu.dma_semaphore, #tpu.memory_space<semaphore_mem>>)
    %dma_start3A_54 = arith.constant 1 : i32
    %dma_start3A_55 = arith.constant 1 : i32
    %dma_start3A_56 = arith.constant 0 : i32
    %dma_start3A_57 = arith.constant 1 : i32
    %dma_start3A_58 = arith.constant 0 : i32
    %dma_start3A_59 = tpu.memref_slice %arg10[%dma_start3A_55, %dma_start3A_58] : memref<2x128xf32, #tpu.memory_space<vmem>> -> memref<1x128xf32, #tpu.memory_space<vmem>>
    %dma_start3A_60 = tpu.memref_squeeze %dma_start3A_59 : memref<1x128xf32, #tpu.memory_space<vmem>> -> memref<128xf32, #tpu.memory_space<vmem>>
    %dma_start3A_61 = arith.constant 0 : i32
    %dma_start3A_62 = tpu.memref_slice %arg8[%dma_start3A_54, %dma_start3A_61] : memref<4x128xi32, #tpu.memory_space<vmem>> -> memref<1x128xi32, #tpu.memory_space<vmem>>
    %dma_start3A_63 = tpu.memref_squeeze %dma_start3A_62 : memref<1x128xi32, #tpu.memory_space<vmem>> -> memref<128xi32, #tpu.memory_space<vmem>>
    %dma_start3A_64 = arith.constant 0 : i32
    %dma_start3A_65 = tpu.memref_slice %arg4[%dma_start3A_64] : memref<1000000xf32, #tpu.memory_space<hbm>> -> memref<1000000xf32, #tpu.memory_space<hbm>>
    %dma_start3A_66 = tpu.memref_slice %arg14[%dma_start3A_56, %dma_start3A_57] : memref<2x2x!tpu.dma_semaphore, #tpu.memory_space<semaphore_mem>> -> memref<1x1x!tpu.dma_semaphore, #tpu.memory_space<semaphore_mem>>
    %dma_start3A_67 = tpu.memref_squeeze %dma_start3A_66 : memref<1x1x!tpu.dma_semaphore, #tpu.memory_space<semaphore_mem>> -> memref<!tpu.dma_semaphore, #tpu.memory_space<semaphore_mem>>
    tpu.enqueue_indirect_dma source(%dma_start3A_65 : memref<1000000xf32, #tpu.memory_space<hbm>>) target(%dma_start3A_60 : memref<128xf32, #tpu.memory_space<vmem>>) offsets(%dma_start3A_63 : memref<128xi32, #tpu.memory_space<vmem>>) semaphore(%dma_start3A_67 : memref<!tpu.dma_semaphore, #tpu.memory_space<semaphore_mem>>)
    %dma_start3A_68 = arith.constant 1 : i32
    %dma_start3A_69 = arith.constant 1 : i32
    %dma_start3A_70 = arith.constant 1 : i32
    %dma_start3A_71 = arith.constant 1 : i32
    %dma_start3A_72 = arith.constant 0 : i32
    %dma_start3A_73 = tpu.memref_slice %arg11[%dma_start3A_69, %dma_start3A_72] : memref<2x128xf32, #tpu.memory_space<vmem>> -> memref<1x128xf32, #tpu.memory_space<vmem>>
    %dma_start3A_74 = tpu.memref_squeeze %dma_start3A_73 : memref<1x128xf32, #tpu.memory_space<vmem>> -> memref<128xf32, #tpu.memory_space<vmem>>
    %dma_start3A_75 = arith.constant 0 : i32
    %dma_start3A_76 = tpu.memref_slice %arg9[%dma_start3A_68, %dma_start3A_75] : memref<4x128xi32, #tpu.memory_space<vmem>> -> memref<1x128xi32, #tpu.memory_space<vmem>>
    %dma_start3A_77 = tpu.memref_squeeze %dma_start3A_76 : memref<1x128xi32, #tpu.memory_space<vmem>> -> memref<128xi32, #tpu.memory_space<vmem>>
    %dma_start3A_78 = arith.constant 0 : i32
    %dma_start3A_79 = tpu.memref_slice %arg5[%dma_start3A_78] : memref<1000000xf32, #tpu.memory_space<hbm>> -> memref<1000000xf32, #tpu.memory_space<hbm>>
    %dma_start3A_80 = tpu.memref_slice %arg14[%dma_start3A_70, %dma_start3A_71] : memref<2x2x!tpu.dma_semaphore, #tpu.memory_space<semaphore_mem>> -> memref<1x1x!tpu.dma_semaphore, #tpu.memory_space<semaphore_mem>>
    %dma_start3A_81 = tpu.memref_squeeze %dma_start3A_80 : memref<1x1x!tpu.dma_semaphore, #tpu.memory_space<semaphore_mem>> -> memref<!tpu.dma_semaphore, #tpu.memory_space<semaphore_mem>>
    tpu.enqueue_indirect_dma source(%dma_start3A_79 : memref<1000000xf32, #tpu.memory_space<hbm>>) target(%dma_start3A_74 : memref<128xf32, #tpu.memory_space<vmem>>) offsets(%dma_start3A_77 : memref<128xi32, #tpu.memory_space<vmem>>) semaphore(%dma_start3A_81 : memref<!tpu.dma_semaphore, #tpu.memory_space<semaphore_mem>>)
    %dma_wait3A = arith.constant 0 : i32
    %dma_wait3A_82 = arith.constant 0 : i32
    %dma_wait3A_83 = arith.constant 0 : i32
    %dma_wait3A_84 = arith.constant 0 : i32
    %dma_wait3A_85 = arith.constant 0 : i32
    %dma_wait3A_86 = tpu.memref_slice %arg10[%dma_wait3A_82, %dma_wait3A_85] : memref<2x128xf32, #tpu.memory_space<vmem>> -> memref<1x128xf32, #tpu.memory_space<vmem>>
    %dma_wait3A_87 = tpu.memref_squeeze %dma_wait3A_86 : memref<1x128xf32, #tpu.memory_space<vmem>> -> memref<128xf32, #tpu.memory_space<vmem>>
    %dma_wait3A_88 = arith.constant 0 : i32
    %dma_wait3A_89 = tpu.memref_slice %arg8[%dma_wait3A, %dma_wait3A_88] : memref<4x128xi32, #tpu.memory_space<vmem>> -> memref<1x128xi32, #tpu.memory_space<vmem>>
    %dma_wait3A_90 = tpu.memref_squeeze %dma_wait3A_89 : memref<1x128xi32, #tpu.memory_space<vmem>> -> memref<128xi32, #tpu.memory_space<vmem>>
    %dma_wait3A_91 = arith.constant 0 : i32
    %dma_wait3A_92 = tpu.memref_slice %arg4[%dma_wait3A_91] : memref<1000000xf32, #tpu.memory_space<hbm>> -> memref<1000000xf32, #tpu.memory_space<hbm>>
    %dma_wait3A_93 = tpu.memref_slice %arg14[%dma_wait3A_83, %dma_wait3A_84] : memref<2x2x!tpu.dma_semaphore, #tpu.memory_space<semaphore_mem>> -> memref<1x1x!tpu.dma_semaphore, #tpu.memory_space<semaphore_mem>>
    %dma_wait3A_94 = tpu.memref_squeeze %dma_wait3A_93 : memref<1x1x!tpu.dma_semaphore, #tpu.memory_space<semaphore_mem>> -> memref<!tpu.dma_semaphore, #tpu.memory_space<semaphore_mem>>
    tpu.wait_indirect_dma semaphore(%dma_wait3A_94 : memref<!tpu.dma_semaphore, #tpu.memory_space<semaphore_mem>>) src(%dma_wait3A_92 : memref<1000000xf32, #tpu.memory_space<hbm>>) dst(%dma_wait3A_87 : memref<128xf32, #tpu.memory_space<vmem>>)
    %dma_wait3A_95 = arith.constant 0 : i32
    %dma_wait3A_96 = arith.constant 0 : i32
    %dma_wait3A_97 = arith.constant 1 : i32
    %dma_wait3A_98 = arith.constant 0 : i32
    %dma_wait3A_99 = arith.constant 0 : i32
    %dma_wait3A_100 = tpu.memref_slice %arg11[%dma_wait3A_96, %dma_wait3A_99] : memref<2x128xf32, #tpu.memory_space<vmem>> -> memref<1x128xf32, #tpu.memory_space<vmem>>
    %dma_wait3A_101 = tpu.memref_squeeze %dma_wait3A_100 : memref<1x128xf32, #tpu.memory_space<vmem>> -> memref<128xf32, #tpu.memory_space<vmem>>
    %dma_wait3A_102 = arith.constant 0 : i32
    %dma_wait3A_103 = tpu.memref_slice %arg9[%dma_wait3A_95, %dma_wait3A_102] : memref<4x128xi32, #tpu.memory_space<vmem>> -> memref<1x128xi32, #tpu.memory_space<vmem>>
    %dma_wait3A_104 = tpu.memref_squeeze %dma_wait3A_103 : memref<1x128xi32, #tpu.memory_space<vmem>> -> memref<128xi32, #tpu.memory_space<vmem>>
    %dma_wait3A_105 = arith.constant 0 : i32
    %dma_wait3A_106 = tpu.memref_slice %arg5[%dma_wait3A_105] : memref<1000000xf32, #tpu.memory_space<hbm>> -> memref<1000000xf32, #tpu.memory_space<hbm>>
    %dma_wait3A_107 = tpu.memref_slice %arg14[%dma_wait3A_97, %dma_wait3A_98] : memref<2x2x!tpu.dma_semaphore, #tpu.memory_space<semaphore_mem>> -> memref<1x1x!tpu.dma_semaphore, #tpu.memory_space<semaphore_mem>>
    %dma_wait3A_108 = tpu.memref_squeeze %dma_wait3A_107 : memref<1x1x!tpu.dma_semaphore, #tpu.memory_space<semaphore_mem>> -> memref<!tpu.dma_semaphore, #tpu.memory_space<semaphore_mem>>
    tpu.wait_indirect_dma semaphore(%dma_wait3A_108 : memref<!tpu.dma_semaphore, #tpu.memory_space<semaphore_mem>>) src(%dma_wait3A_106 : memref<1000000xf32, #tpu.memory_space<hbm>>) dst(%dma_wait3A_101 : memref<128xf32, #tpu.memory_space<vmem>>)
    %get3A_109 = arith.constant 0 : i32
    %get3A_110 = arith.index_cast %get3A_109 : i32 to index
    %get3A_111 = arith.constant 0 : index
    %get3A_112 = tpu.vector_load %arg10[%get3A_110, %get3A_111] {strides = array<i32>} : memref<2x128xf32, #tpu.memory_space<vmem>>, vector<16xf32>,
    %get3A_113 = arith.constant 0 : i32
    %get3A_114 = arith.index_cast %get3A_113 : i32 to index
    %get3A_115 = arith.constant 0 : index
    %get3A_116 = tpu.vector_load %arg11[%get3A_114, %get3A_115] {strides = array<i32>} : memref<2x128xf32, #tpu.memory_space<vmem>>, vector<16xf32>,
    %add3A_117 = arith.addf %get3A_112, %get3A_116 : vector<16xf32>
    %add3A_118 = vector.broadcast %squeeze3A : f32 to vector<16xf32>
    %add3A_119 = arith.addf %add3A_117, %add3A_118 : vector<16xf32>
    %swap3A = arith.constant 0 : index
    %swap3A_120 = tpu.vector_load %arg13[%swap3A] {strides = array<i32>} : memref<512xf32, #tpu.memory_space<vmem>>, vector<16xf32>,
    tpu.vector_store %arg13[%swap3A], %add3A_119 {strides = array<i32>} : memref<512xf32, #tpu.memory_space<vmem>>, vector<16xf32>,
    %get3A_121 = arith.constant 0 : i32
    %get3A_122 = arith.index_cast %get3A_121 : i32 to index
    %get3A_123 = arith.constant 16 : index
    %get3A_124 = tpu.vector_load %arg10[%get3A_122, %get3A_123] {strides = array<i32>} : memref<2x128xf32, #tpu.memory_space<vmem>>, vector<16xf32>,
    %get3A_125 = arith.constant 0 : i32
    %get3A_126 = arith.index_cast %get3A_125 : i32 to index
    %get3A_127 = arith.constant 16 : index
    %get3A_128 = tpu.vector_load %arg11[%get3A_126, %get3A_127] {strides = array<i32>} : memref<2x128xf32, #tpu.memory_space<vmem>>, vector<16xf32>,
    %add3A_129 = arith.addf %get3A_124, %get3A_128 : vector<16xf32>
    %add3A_130 = vector.broadcast %squeeze3A : f32 to vector<16xf32>
    %add3A_131 = arith.addf %add3A_129, %add3A_130 : vector<16xf32>
    %swap3A_132 = arith.constant 16 : index
    %swap3A_133 = tpu.vector_load %arg13[%swap3A_132] {strides = array<i32>} : memref<512xf32, #tpu.memory_space<vmem>>, vector<16xf32>,
    tpu.vector_store %arg13[%swap3A_132], %add3A_131 {strides = array<i32>} : memref<512xf32, #tpu.memory_space<vmem>>, vector<16xf32>,
    %get3A_134 = arith.constant 0 : i32
    %get3A_135 = arith.index_cast %get3A_134 : i32 to index
    %get3A_136 = arith.constant 32 : index
    %get3A_137 = tpu.vector_load %arg10[%get3A_135, %get3A_136] {strides = array<i32>} : memref<2x128xf32, #tpu.memory_space<vmem>>, vector<16xf32>,
    %get3A_138 = arith.constant 0 : i32
    %get3A_139 = arith.index_cast %get3A_138 : i32 to index
    %get3A_140 = arith.constant 32 : index
    %get3A_141 = tpu.vector_load %arg11[%get3A_139, %get3A_140] {strides = array<i32>} : memref<2x128xf32, #tpu.memory_space<vmem>>, vector<16xf32>,
    %add3A_142 = arith.addf %get3A_137, %get3A_141 : vector<16xf32>
    %add3A_143 = vector.broadcast %squeeze3A : f32 to vector<16xf32>
    %add3A_144 = arith.addf %add3A_142, %add3A_143 : vector<16xf32>
    %swap3A_145 = arith.constant 32 : index
    %swap3A_146 = tpu.vector_load %arg13[%swap3A_145] {strides = array<i32>} : memref<512xf32, #tpu.memory_space<vmem>>, vector<16xf32>,
    tpu.vector_store %arg13[%swap3A_145], %add3A_144 {strides = array<i32>} : memref<512xf32, #tpu.memory_space<vmem>>, vector<16xf32>,
    %get3A_147 = arith.constant 0 : i32
    %get3A_148 = arith.index_cast %get3A_147 : i32 to index
    %get3A_149 = arith.constant 48 : index
    %get3A_150 = tpu.vector_load %arg10[%get3A_148, %get3A_149] {strides = array<i32>} : memref<2x128xf32, #tpu.memory_space<vmem>>, vector<16xf32>,
    %get3A_151 = arith.constant 0 : i32
    %get3A_152 = arith.index_cast %get3A_151 : i32 to index
    %get3A_153 = arith.constant 48 : index
    %get3A_154 = tpu.vector_load %arg11[%get3A_152, %get3A_153] {strides = array<i32>} : memref<2x128xf32, #tpu.memory_space<vmem>>, vector<16xf32>,
    %add3A_155 = arith.addf %get3A_150, %get3A_154 : vector<16xf32>
    %add3A_156 = vector.broadcast %squeeze3A : f32 to vector<16xf32>
    %add3A_157 = arith.addf %add3A_155, %add3A_156 : vector<16xf32>
    %swap3A_158 = arith.constant 48 : index
    %swap3A_159 = tpu.vector_load %arg13[%swap3A_158] {strides = array<i32>} : memref<512xf32, #tpu.memory_space<vmem>>, vector<16xf32>,
    tpu.vector_store %arg13[%swap3A_158], %add3A_157 {strides = array<i32>} : memref<512xf32, #tpu.memory_space<vmem>>, vector<16xf32>,
    %get3A_160 = arith.constant 0 : i32
    %get3A_161 = arith.index_cast %get3A_160 : i32 to index
    %get3A_162 = arith.constant 64 : index
    %get3A_163 = tpu.vector_load %arg10[%get3A_161, %get3A_162] {strides = array<i32>} : memref<2x128xf32, #tpu.memory_space<vmem>>, vector<16xf32>,
    %get3A_164 = arith.constant 0 : i32
    %get3A_165 = arith.index_cast %get3A_164 : i32 to index
    %get3A_166 = arith.constant 64 : index
    %get3A_167 = tpu.vector_load %arg11[%get3A_165, %get3A_166] {strides = array<i32>} : memref<2x128xf32, #tpu.memory_space<vmem>>, vector<16xf32>,
    %add3A_168 = arith.addf %get3A_163, %get3A_167 : vector<16xf32>
    %add3A_169 = vector.broadcast %squeeze3A : f32 to vector<16xf32>
    %add3A_170 = arith.addf %add3A_168, %add3A_169 : vector<16xf32>
    %swap3A_171 = arith.constant 64 : index
    %swap3A_172 = tpu.vector_load %arg13[%swap3A_171] {strides = array<i32>} : memref<512xf32, #tpu.memory_space<vmem>>, vector<16xf32>,
    tpu.vector_store %arg13[%swap3A_171], %add3A_170 {strides = array<i32>} : memref<512xf32, #tpu.memory_space<vmem>>, vector<16xf32>,
    %get3A_173 = arith.constant 0 : i32
    %get3A_174 = arith.index_cast %get3A_173 : i32 to index
    %get3A_175 = arith.constant 80 : index
    %get3A_176 = tpu.vector_load %arg10[%get3A_174, %get3A_175] {strides = array<i32>} : memref<2x128xf32, #tpu.memory_space<vmem>>, vector<16xf32>,
    %get3A_177 = arith.constant 0 : i32
    %get3A_178 = arith.index_cast %get3A_177 : i32 to index
    %get3A_179 = arith.constant 80 : index
    %get3A_180 = tpu.vector_load %arg11[%get3A_178, %get3A_179] {strides = array<i32>} : memref<2x128xf32, #tpu.memory_space<vmem>>, vector<16xf32>,
    %add3A_181 = arith.addf %get3A_176, %get3A_180 : vector<16xf32>
    %add3A_182 = vector.broadcast %squeeze3A : f32 to vector<16xf32>
    %add3A_183 = arith.addf %add3A_181, %add3A_182 : vector<16xf32>
    %swap3A_184 = arith.constant 80 : index
    %swap3A_185 = tpu.vector_load %arg13[%swap3A_184] {strides = array<i32>} : memref<512xf32, #tpu.memory_space<vmem>>, vector<16xf32>,
    tpu.vector_store %arg13[%swap3A_184], %add3A_183 {strides = array<i32>} : memref<512xf32, #tpu.memory_space<vmem>>, vector<16xf32>,
    %get3A_186 = arith.constant 0 : i32
    %get3A_187 = arith.index_cast %get3A_186 : i32 to index
    %get3A_188 = arith.constant 96 : index
    %get3A_189 = tpu.vector_load %arg10[%get3A_187, %get3A_188] {strides = array<i32>} : memref<2x128xf32, #tpu.memory_space<vmem>>, vector<16xf32>,
    %get3A_190 = arith.constant 0 : i32
    %get3A_191 = arith.index_cast %get3A_190 : i32 to index
    %get3A_192 = arith.constant 96 : index
    %get3A_193 = tpu.vector_load %arg11[%get3A_191, %get3A_192] {strides = array<i32>} : memref<2x128xf32, #tpu.memory_space<vmem>>, vector<16xf32>,
    %add3A_194 = arith.addf %get3A_189, %get3A_193 : vector<16xf32>
    %add3A_195 = vector.broadcast %squeeze3A : f32 to vector<16xf32>
    %add3A_196 = arith.addf %add3A_194, %add3A_195 : vector<16xf32>
    %swap3A_197 = arith.constant 96 : index
    %swap3A_198 = tpu.vector_load %arg13[%swap3A_197] {strides = array<i32>} : memref<512xf32, #tpu.memory_space<vmem>>, vector<16xf32>,
    tpu.vector_store %arg13[%swap3A_197], %add3A_196 {strides = array<i32>} : memref<512xf32, #tpu.memory_space<vmem>>, vector<16xf32>,
    %get3A_199 = arith.constant 0 : i32
    %get3A_200 = arith.index_cast %get3A_199 : i32 to index
    %get3A_201 = arith.constant 112 : index
    %get3A_202 = tpu.vector_load %arg10[%get3A_200, %get3A_201] {strides = array<i32>} : memref<2x128xf32, #tpu.memory_space<vmem>>, vector<16xf32>,
    %get3A_203 = arith.constant 0 : i32
    %get3A_204 = arith.index_cast %get3A_203 : i32 to index
    %get3A_205 = arith.constant 112 : index
    %get3A_206 = tpu.vector_load %arg11[%get3A_204, %get3A_205] {strides = array<i32>} : memref<2x128xf32, #tpu.memory_space<vmem>>, vector<16xf32>,
    %add3A_207 = arith.addf %get3A_202, %get3A_206 : vector<16xf32>
    %add3A_208 = vector.broadcast %squeeze3A : f32 to vector<16xf32>
    %add3A_209 = arith.addf %add3A_207, %add3A_208 : vector<16xf32>
    %swap3A_210 = arith.constant 112 : index
    %swap3A_211 = tpu.vector_load %arg13[%swap3A_210] {strides = array<i32>} : memref<512xf32, #tpu.memory_space<vmem>>, vector<16xf32>,
    tpu.vector_store %arg13[%swap3A_210], %add3A_209 {strides = array<i32>} : memref<512xf32, #tpu.memory_space<vmem>>, vector<16xf32>,
    %dma_start3A_212 = arith.constant 2 : i32
    %dma_start3A_213 = arith.constant 0 : i32
    %dma_start3A_214 = arith.constant 0 : i32
    %dma_start3A_215 = arith.constant 0 : i32
    %dma_start3A_216 = arith.constant 0 : i32
    %dma_start3A_217 = tpu.memref_slice %arg10[%dma_start3A_213, %dma_start3A_216] : memref<2x128xf32, #tpu.memory_space<vmem>> -> memref<1x128xf32, #tpu.memory_space<vmem>>
    %dma_start3A_218 = tpu.memref_squeeze %dma_start3A_217 : memref<1x128xf32, #tpu.memory_space<vmem>> -> memref<128xf32, #tpu.memory_space<vmem>>
    %dma_start3A_219 = arith.constant 0 : i32
    %dma_start3A_220 = tpu.memref_slice %arg8[%dma_start3A_212, %dma_start3A_219] : memref<4x128xi32, #tpu.memory_space<vmem>> -> memref<1x128xi32, #tpu.memory_space<vmem>>
    %dma_start3A_221 = tpu.memref_squeeze %dma_start3A_220 : memref<1x128xi32, #tpu.memory_space<vmem>> -> memref<128xi32, #tpu.memory_space<vmem>>
    %dma_start3A_222 = arith.constant 0 : i32
    %dma_start3A_223 = tpu.memref_slice %arg4[%dma_start3A_222] : memref<1000000xf32, #tpu.memory_space<hbm>> -> memref<1000000xf32, #tpu.memory_space<hbm>>
    %dma_start3A_224 = tpu.memref_slice %arg14[%dma_start3A_214, %dma_start3A_215] : memref<2x2x!tpu.dma_semaphore, #tpu.memory_space<semaphore_mem>> -> memref<1x1x!tpu.dma_semaphore, #tpu.memory_space<semaphore_mem>>
    %dma_start3A_225 = tpu.memref_squeeze %dma_start3A_224 : memref<1x1x!tpu.dma_semaphore, #tpu.memory_space<semaphore_mem>> -> memref<!tpu.dma_semaphore, #tpu.memory_space<semaphore_mem>>
    tpu.enqueue_indirect_dma source(%dma_start3A_223 : memref<1000000xf32, #tpu.memory_space<hbm>>) target(%dma_start3A_218 : memref<128xf32, #tpu.memory_space<vmem>>) offsets(%dma_start3A_221 : memref<128xi32, #tpu.memory_space<vmem>>) semaphore(%dma_start3A_225 : memref<!tpu.dma_semaphore, #tpu.memory_space<semaphore_mem>>)
    %dma_start3A_226 = arith.constant 2 : i32
    %dma_start3A_227 = arith.constant 0 : i32
    %dma_start3A_228 = arith.constant 1 : i32
    %dma_start3A_229 = arith.constant 0 : i32
    %dma_start3A_230 = arith.constant 0 : i32
    %dma_start3A_231 = tpu.memref_slice %arg11[%dma_start3A_227, %dma_start3A_230] : memref<2x128xf32, #tpu.memory_space<vmem>> -> memref<1x128xf32, #tpu.memory_space<vmem>>
    %dma_start3A_232 = tpu.memref_squeeze %dma_start3A_231 : memref<1x128xf32, #tpu.memory_space<vmem>> -> memref<128xf32, #tpu.memory_space<vmem>>
    %dma_start3A_233 = arith.constant 0 : i32
    %dma_start3A_234 = tpu.memref_slice %arg9[%dma_start3A_226, %dma_start3A_233] : memref<4x128xi32, #tpu.memory_space<vmem>> -> memref<1x128xi32, #tpu.memory_space<vmem>>
    %dma_start3A_235 = tpu.memref_squeeze %dma_start3A_234 : memref<1x128xi32, #tpu.memory_space<vmem>> -> memref<128xi32, #tpu.memory_space<vmem>>
    %dma_start3A_236 = arith.constant 0 : i32
    %dma_start3A_237 = tpu.memref_slice %arg5[%dma_start3A_236] : memref<1000000xf32, #tpu.memory_space<hbm>> -> memref<1000000xf32, #tpu.memory_space<hbm>>
    %dma_start3A_238 = tpu.memref_slice %arg14[%dma_start3A_228, %dma_start3A_229] : memref<2x2x!tpu.dma_semaphore, #tpu.memory_space<semaphore_mem>> -> memref<1x1x!tpu.dma_semaphore, #tpu.memory_space<semaphore_mem>>
    %dma_start3A_239 = tpu.memref_squeeze %dma_start3A_238 : memref<1x1x!tpu.dma_semaphore, #tpu.memory_space<semaphore_mem>> -> memref<!tpu.dma_semaphore, #tpu.memory_space<semaphore_mem>>
    tpu.enqueue_indirect_dma source(%dma_start3A_237 : memref<1000000xf32, #tpu.memory_space<hbm>>) target(%dma_start3A_232 : memref<128xf32, #tpu.memory_space<vmem>>) offsets(%dma_start3A_235 : memref<128xi32, #tpu.memory_space<vmem>>) semaphore(%dma_start3A_239 : memref<!tpu.dma_semaphore, #tpu.memory_space<semaphore_mem>>)
    %dma_wait3A_240 = arith.constant 1 : i32
    %dma_wait3A_241 = arith.constant 1 : i32
    %dma_wait3A_242 = arith.constant 0 : i32
    %dma_wait3A_243 = arith.constant 1 : i32
    %dma_wait3A_244 = arith.constant 0 : i32
    %dma_wait3A_245 = tpu.memref_slice %arg10[%dma_wait3A_241, %dma_wait3A_244] : memref<2x128xf32, #tpu.memory_space<vmem>> -> memref<1x128xf32, #tpu.memory_space<vmem>>
    %dma_wait3A_246 = tpu.memref_squeeze %dma_wait3A_245 : memref<1x128xf32, #tpu.memory_space<vmem>> -> memref<128xf32, #tpu.memory_space<vmem>>
    %dma_wait3A_247 = arith.constant 0 : i32
    %dma_wait3A_248 = tpu.memref_slice %arg8[%dma_wait3A_240, %dma_wait3A_247] : memref<4x128xi32, #tpu.memory_space<vmem>> -> memref<1x128xi32, #tpu.memory_space<vmem>>
    %dma_wait3A_249 = tpu.memref_squeeze %dma_wait3A_248 : memref<1x128xi32, #tpu.memory_space<vmem>> -> memref<128xi32, #tpu.memory_space<vmem>>
    %dma_wait3A_250 = arith.constant 0 : i32
    %dma_wait3A_251 = tpu.memref_slice %arg4[%dma_wait3A_250] : memref<1000000xf32, #tpu.memory_space<hbm>> -> memref<1000000xf32, #tpu.memory_space<hbm>>
    %dma_wait3A_252 = tpu.memref_slice %arg14[%dma_wait3A_242, %dma_wait3A_243] : memref<2x2x!tpu.dma_semaphore, #tpu.memory_space<semaphore_mem>> -> memref<1x1x!tpu.dma_semaphore, #tpu.memory_space<semaphore_mem>>
    %dma_wait3A_253 = tpu.memref_squeeze %dma_wait3A_252 : memref<1x1x!tpu.dma_semaphore, #tpu.memory_space<semaphore_mem>> -> memref<!tpu.dma_semaphore, #tpu.memory_space<semaphore_mem>>
    tpu.wait_indirect_dma semaphore(%dma_wait3A_253 : memref<!tpu.dma_semaphore, #tpu.memory_space<semaphore_mem>>) src(%dma_wait3A_251 : memref<1000000xf32, #tpu.memory_space<hbm>>) dst(%dma_wait3A_246 : memref<128xf32, #tpu.memory_space<vmem>>)
    %dma_wait3A_254 = arith.constant 1 : i32
    %dma_wait3A_255 = arith.constant 1 : i32
    %dma_wait3A_256 = arith.constant 1 : i32
    %dma_wait3A_257 = arith.constant 1 : i32
    %dma_wait3A_258 = arith.constant 0 : i32
    %dma_wait3A_259 = tpu.memref_slice %arg11[%dma_wait3A_255, %dma_wait3A_258] : memref<2x128xf32, #tpu.memory_space<vmem>> -> memref<1x128xf32, #tpu.memory_space<vmem>>
    %dma_wait3A_260 = tpu.memref_squeeze %dma_wait3A_259 : memref<1x128xf32, #tpu.memory_space<vmem>> -> memref<128xf32, #tpu.memory_space<vmem>>
    %dma_wait3A_261 = arith.constant 0 : i32
    %dma_wait3A_262 = tpu.memref_slice %arg9[%dma_wait3A_254, %dma_wait3A_261] : memref<4x128xi32, #tpu.memory_space<vmem>> -> memref<1x128xi32, #tpu.memory_space<vmem>>
    %dma_wait3A_263 = tpu.memref_squeeze %dma_wait3A_262 : memref<1x128xi32, #tpu.memory_space<vmem>> -> memref<128xi32, #tpu.memory_space<vmem>>
    %dma_wait3A_264 = arith.constant 0 : i32
    %dma_wait3A_265 = tpu.memref_slice %arg5[%dma_wait3A_264] : memref<1000000xf32, #tpu.memory_space<hbm>> -> memref<1000000xf32, #tpu.memory_space<hbm>>
    %dma_wait3A_266 = tpu.memref_slice %arg14[%dma_wait3A_256, %dma_wait3A_257] : memref<2x2x!tpu.dma_semaphore, #tpu.memory_space<semaphore_mem>> -> memref<1x1x!tpu.dma_semaphore, #tpu.memory_space<semaphore_mem>>
    %dma_wait3A_267 = tpu.memref_squeeze %dma_wait3A_266 : memref<1x1x!tpu.dma_semaphore, #tpu.memory_space<semaphore_mem>> -> memref<!tpu.dma_semaphore, #tpu.memory_space<semaphore_mem>>
    tpu.wait_indirect_dma semaphore(%dma_wait3A_267 : memref<!tpu.dma_semaphore, #tpu.memory_space<semaphore_mem>>) src(%dma_wait3A_265 : memref<1000000xf32, #tpu.memory_space<hbm>>) dst(%dma_wait3A_260 : memref<128xf32, #tpu.memory_space<vmem>>)
    %get3A_268 = arith.constant 1 : i32
    %get3A_269 = arith.index_cast %get3A_268 : i32 to index
    %get3A_270 = arith.constant 0 : index
    %get3A_271 = tpu.vector_load %arg10[%get3A_269, %get3A_270] {strides = array<i32>} : memref<2x128xf32, #tpu.memory_space<vmem>>, vector<16xf32>,
    %get3A_272 = arith.constant 1 : i32
    %get3A_273 = arith.index_cast %get3A_272 : i32 to index
    %get3A_274 = arith.constant 0 : index
    %get3A_275 = tpu.vector_load %arg11[%get3A_273, %get3A_274] {strides = array<i32>} : memref<2x128xf32, #tpu.memory_space<vmem>>, vector<16xf32>,
    %add3A_276 = arith.addf %get3A_271, %get3A_275 : vector<16xf32>
    %add3A_277 = vector.broadcast %squeeze3A : f32 to vector<16xf32>
    %add3A_278 = arith.addf %add3A_276, %add3A_277 : vector<16xf32>
    %swap3A_279 = arith.constant 128 : index
    %swap3A_280 = tpu.vector_load %arg13[%swap3A_279] {strides = array<i32>} : memref<512xf32, #tpu.memory_space<vmem>>, vector<16xf32>,
    tpu.vector_store %arg13[%swap3A_279], %add3A_278 {strides = array<i32>} : memref<512xf32, #tpu.memory_space<vmem>>, vector<16xf32>,
    %get3A_281 = arith.constant 1 : i32
    %get3A_282 = arith.index_cast %get3A_281 : i32 to index
    %get3A_283 = arith.constant 16 : index
    %get3A_284 = tpu.vector_load %arg10[%get3A_282, %get3A_283] {strides = array<i32>} : memref<2x128xf32, #tpu.memory_space<vmem>>, vector<16xf32>,
    %get3A_285 = arith.constant 1 : i32
    %get3A_286 = arith.index_cast %get3A_285 : i32 to index
    %get3A_287 = arith.constant 16 : index
    %get3A_288 = tpu.vector_load %arg11[%get3A_286, %get3A_287] {strides = array<i32>} : memref<2x128xf32, #tpu.memory_space<vmem>>, vector<16xf32>,
    %add3A_289 = arith.addf %get3A_284, %get3A_288 : vector<16xf32>
    %add3A_290 = vector.broadcast %squeeze3A : f32 to vector<16xf32>
    %add3A_291 = arith.addf %add3A_289, %add3A_290 : vector<16xf32>
    %swap3A_292 = arith.constant 144 : index
    %swap3A_293 = tpu.vector_load %arg13[%swap3A_292] {strides = array<i32>} : memref<512xf32, #tpu.memory_space<vmem>>, vector<16xf32>,
    tpu.vector_store %arg13[%swap3A_292], %add3A_291 {strides = array<i32>} : memref<512xf32, #tpu.memory_space<vmem>>, vector<16xf32>,
    %get3A_294 = arith.constant 1 : i32
    %get3A_295 = arith.index_cast %get3A_294 : i32 to index
    %get3A_296 = arith.constant 32 : index
    %get3A_297 = tpu.vector_load %arg10[%get3A_295, %get3A_296] {strides = array<i32>} : memref<2x128xf32, #tpu.memory_space<vmem>>, vector<16xf32>,
    %get3A_298 = arith.constant 1 : i32
    %get3A_299 = arith.index_cast %get3A_298 : i32 to index
    %get3A_300 = arith.constant 32 : index
    %get3A_301 = tpu.vector_load %arg11[%get3A_299, %get3A_300] {strides = array<i32>} : memref<2x128xf32, #tpu.memory_space<vmem>>, vector<16xf32>,
    %add3A_302 = arith.addf %get3A_297, %get3A_301 : vector<16xf32>
    %add3A_303 = vector.broadcast %squeeze3A : f32 to vector<16xf32>
    %add3A_304 = arith.addf %add3A_302, %add3A_303 : vector<16xf32>
    %swap3A_305 = arith.constant 160 : index
    %swap3A_306 = tpu.vector_load %arg13[%swap3A_305] {strides = array<i32>} : memref<512xf32, #tpu.memory_space<vmem>>, vector<16xf32>,
    tpu.vector_store %arg13[%swap3A_305], %add3A_304 {strides = array<i32>} : memref<512xf32, #tpu.memory_space<vmem>>, vector<16xf32>,
    %get3A_307 = arith.constant 1 : i32
    %get3A_308 = arith.index_cast %get3A_307 : i32 to index
    %get3A_309 = arith.constant 48 : index
    %get3A_310 = tpu.vector_load %arg10[%get3A_308, %get3A_309] {strides = array<i32>} : memref<2x128xf32, #tpu.memory_space<vmem>>, vector<16xf32>,
    %get3A_311 = arith.constant 1 : i32
    %get3A_312 = arith.index_cast %get3A_311 : i32 to index
    %get3A_313 = arith.constant 48 : index
    %get3A_314 = tpu.vector_load %arg11[%get3A_312, %get3A_313] {strides = array<i32>} : memref<2x128xf32, #tpu.memory_space<vmem>>, vector<16xf32>,
    %add3A_315 = arith.addf %get3A_310, %get3A_314 : vector<16xf32>
    %add3A_316 = vector.broadcast %squeeze3A : f32 to vector<16xf32>
    %add3A_317 = arith.addf %add3A_315, %add3A_316 : vector<16xf32>
    %swap3A_318 = arith.constant 176 : index
    %swap3A_319 = tpu.vector_load %arg13[%swap3A_318] {strides = array<i32>} : memref<512xf32, #tpu.memory_space<vmem>>, vector<16xf32>,
    tpu.vector_store %arg13[%swap3A_318], %add3A_317 {strides = array<i32>} : memref<512xf32, #tpu.memory_space<vmem>>, vector<16xf32>,
    %get3A_320 = arith.constant 1 : i32
    %get3A_321 = arith.index_cast %get3A_320 : i32 to index
    %get3A_322 = arith.constant 64 : index
    %get3A_323 = tpu.vector_load %arg10[%get3A_321, %get3A_322] {strides = array<i32>} : memref<2x128xf32, #tpu.memory_space<vmem>>, vector<16xf32>,
    %get3A_324 = arith.constant 1 : i32
    %get3A_325 = arith.index_cast %get3A_324 : i32 to index
    %get3A_326 = arith.constant 64 : index
    %get3A_327 = tpu.vector_load %arg11[%get3A_325, %get3A_326] {strides = array<i32>} : memref<2x128xf32, #tpu.memory_space<vmem>>, vector<16xf32>,
    %add3A_328 = arith.addf %get3A_323, %get3A_327 : vector<16xf32>
    %add3A_329 = vector.broadcast %squeeze3A : f32 to vector<16xf32>
    %add3A_330 = arith.addf %add3A_328, %add3A_329 : vector<16xf32>
    %swap3A_331 = arith.constant 192 : index
    %swap3A_332 = tpu.vector_load %arg13[%swap3A_331] {strides = array<i32>} : memref<512xf32, #tpu.memory_space<vmem>>, vector<16xf32>,
    tpu.vector_store %arg13[%swap3A_331], %add3A_330 {strides = array<i32>} : memref<512xf32, #tpu.memory_space<vmem>>, vector<16xf32>,
    %get3A_333 = arith.constant 1 : i32
    %get3A_334 = arith.index_cast %get3A_333 : i32 to index
    %get3A_335 = arith.constant 80 : index
    %get3A_336 = tpu.vector_load %arg10[%get3A_334, %get3A_335] {strides = array<i32>} : memref<2x128xf32, #tpu.memory_space<vmem>>, vector<16xf32>,
    %get3A_337 = arith.constant 1 : i32
    %get3A_338 = arith.index_cast %get3A_337 : i32 to index
    %get3A_339 = arith.constant 80 : index
    %get3A_340 = tpu.vector_load %arg11[%get3A_338, %get3A_339] {strides = array<i32>} : memref<2x128xf32, #tpu.memory_space<vmem>>, vector<16xf32>,
    %add3A_341 = arith.addf %get3A_336, %get3A_340 : vector<16xf32>
    %add3A_342 = vector.broadcast %squeeze3A : f32 to vector<16xf32>
    %add3A_343 = arith.addf %add3A_341, %add3A_342 : vector<16xf32>
    %swap3A_344 = arith.constant 208 : index
    %swap3A_345 = tpu.vector_load %arg13[%swap3A_344] {strides = array<i32>} : memref<512xf32, #tpu.memory_space<vmem>>, vector<16xf32>,
    tpu.vector_store %arg13[%swap3A_344], %add3A_343 {strides = array<i32>} : memref<512xf32, #tpu.memory_space<vmem>>, vector<16xf32>,
    %get3A_346 = arith.constant 1 : i32
    %get3A_347 = arith.index_cast %get3A_346 : i32 to index
    %get3A_348 = arith.constant 96 : index
    %get3A_349 = tpu.vector_load %arg10[%get3A_347, %get3A_348] {strides = array<i32>} : memref<2x128xf32, #tpu.memory_space<vmem>>, vector<16xf32>,
    %get3A_350 = arith.constant 1 : i32
    %get3A_351 = arith.index_cast %get3A_350 : i32 to index
    %get3A_352 = arith.constant 96 : index
    %get3A_353 = tpu.vector_load %arg11[%get3A_351, %get3A_352] {strides = array<i32>} : memref<2x128xf32, #tpu.memory_space<vmem>>, vector<16xf32>,
    %add3A_354 = arith.addf %get3A_349, %get3A_353 : vector<16xf32>
    %add3A_355 = vector.broadcast %squeeze3A : f32 to vector<16xf32>
    %add3A_356 = arith.addf %add3A_354, %add3A_355 : vector<16xf32>
    %swap3A_357 = arith.constant 224 : index
    %swap3A_358 = tpu.vector_load %arg13[%swap3A_357] {strides = array<i32>} : memref<512xf32, #tpu.memory_space<vmem>>, vector<16xf32>,
    tpu.vector_store %arg13[%swap3A_357], %add3A_356 {strides = array<i32>} : memref<512xf32, #tpu.memory_space<vmem>>, vector<16xf32>,
    %get3A_359 = arith.constant 1 : i32
    %get3A_360 = arith.index_cast %get3A_359 : i32 to index
    %get3A_361 = arith.constant 112 : index
    %get3A_362 = tpu.vector_load %arg10[%get3A_360, %get3A_361] {strides = array<i32>} : memref<2x128xf32, #tpu.memory_space<vmem>>, vector<16xf32>,
    %get3A_363 = arith.constant 1 : i32
    %get3A_364 = arith.index_cast %get3A_363 : i32 to index
    %get3A_365 = arith.constant 112 : index
    %get3A_366 = tpu.vector_load %arg11[%get3A_364, %get3A_365] {strides = array<i32>} : memref<2x128xf32, #tpu.memory_space<vmem>>, vector<16xf32>,
    %add3A_367 = arith.addf %get3A_362, %get3A_366 : vector<16xf32>
    %add3A_368 = vector.broadcast %squeeze3A : f32 to vector<16xf32>
    %add3A_369 = arith.addf %add3A_367, %add3A_368 : vector<16xf32>
    %swap3A_370 = arith.constant 240 : index
    %swap3A_371 = tpu.vector_load %arg13[%swap3A_370] {strides = array<i32>} : memref<512xf32, #tpu.memory_space<vmem>>, vector<16xf32>,
    tpu.vector_store %arg13[%swap3A_370], %add3A_369 {strides = array<i32>} : memref<512xf32, #tpu.memory_space<vmem>>, vector<16xf32>,
    %dma_start3A_372 = arith.constant 3 : i32
    %dma_start3A_373 = arith.constant 1 : i32
    %dma_start3A_374 = arith.constant 0 : i32
    %dma_start3A_375 = arith.constant 1 : i32
    %dma_start3A_376 = arith.constant 0 : i32
    %dma_start3A_377 = tpu.memref_slice %arg10[%dma_start3A_373, %dma_start3A_376] : memref<2x128xf32, #tpu.memory_space<vmem>> -> memref<1x128xf32, #tpu.memory_space<vmem>>
    %dma_start3A_378 = tpu.memref_squeeze %dma_start3A_377 : memref<1x128xf32, #tpu.memory_space<vmem>> -> memref<128xf32, #tpu.memory_space<vmem>>
    %dma_start3A_379 = arith.constant 0 : i32
    %dma_start3A_380 = tpu.memref_slice %arg8[%dma_start3A_372, %dma_start3A_379] : memref<4x128xi32, #tpu.memory_space<vmem>> -> memref<1x128xi32, #tpu.memory_space<vmem>>
    %dma_start3A_381 = tpu.memref_squeeze %dma_start3A_380 : memref<1x128xi32, #tpu.memory_space<vmem>> -> memref<128xi32, #tpu.memory_space<vmem>>
    %dma_start3A_382 = arith.constant 0 : i32
    %dma_start3A_383 = tpu.memref_slice %arg4[%dma_start3A_382] : memref<1000000xf32, #tpu.memory_space<hbm>> -> memref<1000000xf32, #tpu.memory_space<hbm>>
    %dma_start3A_384 = tpu.memref_slice %arg14[%dma_start3A_374, %dma_start3A_375] : memref<2x2x!tpu.dma_semaphore, #tpu.memory_space<semaphore_mem>> -> memref<1x1x!tpu.dma_semaphore, #tpu.memory_space<semaphore_mem>>
    %dma_start3A_385 = tpu.memref_squeeze %dma_start3A_384 : memref<1x1x!tpu.dma_semaphore, #tpu.memory_space<semaphore_mem>> -> memref<!tpu.dma_semaphore, #tpu.memory_space<semaphore_mem>>
    tpu.enqueue_indirect_dma source(%dma_start3A_383 : memref<1000000xf32, #tpu.memory_space<hbm>>) target(%dma_start3A_378 : memref<128xf32, #tpu.memory_space<vmem>>) offsets(%dma_start3A_381 : memref<128xi32, #tpu.memory_space<vmem>>) semaphore(%dma_start3A_385 : memref<!tpu.dma_semaphore, #tpu.memory_space<semaphore_mem>>)
    %dma_start3A_386 = arith.constant 3 : i32
    %dma_start3A_387 = arith.constant 1 : i32
    %dma_start3A_388 = arith.constant 1 : i32
    %dma_start3A_389 = arith.constant 1 : i32
    %dma_start3A_390 = arith.constant 0 : i32
    %dma_start3A_391 = tpu.memref_slice %arg11[%dma_start3A_387, %dma_start3A_390] : memref<2x128xf32, #tpu.memory_space<vmem>> -> memref<1x128xf32, #tpu.memory_space<vmem>>
    %dma_start3A_392 = tpu.memref_squeeze %dma_start3A_391 : memref<1x128xf32, #tpu.memory_space<vmem>> -> memref<128xf32, #tpu.memory_space<vmem>>
    %dma_start3A_393 = arith.constant 0 : i32
    %dma_start3A_394 = tpu.memref_slice %arg9[%dma_start3A_386, %dma_start3A_393] : memref<4x128xi32, #tpu.memory_space<vmem>> -> memref<1x128xi32, #tpu.memory_space<vmem>>
    %dma_start3A_395 = tpu.memref_squeeze %dma_start3A_394 : memref<1x128xi32, #tpu.memory_space<vmem>> -> memref<128xi32, #tpu.memory_space<vmem>>
    %dma_start3A_396 = arith.constant 0 : i32
    %dma_start3A_397 = tpu.memref_slice %arg5[%dma_start3A_396] : memref<1000000xf32, #tpu.memory_space<hbm>> -> memref<1000000xf32, #tpu.memory_space<hbm>>
    %dma_start3A_398 = tpu.memref_slice %arg14[%dma_start3A_388, %dma_start3A_389] : memref<2x2x!tpu.dma_semaphore, #tpu.memory_space<semaphore_mem>> -> memref<1x1x!tpu.dma_semaphore, #tpu.memory_space<semaphore_mem>>
    %dma_start3A_399 = tpu.memref_squeeze %dma_start3A_398 : memref<1x1x!tpu.dma_semaphore, #tpu.memory_space<semaphore_mem>> -> memref<!tpu.dma_semaphore, #tpu.memory_space<semaphore_mem>>
    tpu.enqueue_indirect_dma source(%dma_start3A_397 : memref<1000000xf32, #tpu.memory_space<hbm>>) target(%dma_start3A_392 : memref<128xf32, #tpu.memory_space<vmem>>) offsets(%dma_start3A_395 : memref<128xi32, #tpu.memory_space<vmem>>) semaphore(%dma_start3A_399 : memref<!tpu.dma_semaphore, #tpu.memory_space<semaphore_mem>>)
    %dma_wait3A_400 = arith.constant 2 : i32
    %dma_wait3A_401 = arith.constant 0 : i32
    %dma_wait3A_402 = arith.constant 0 : i32
    %dma_wait3A_403 = arith.constant 0 : i32
    %dma_wait3A_404 = arith.constant 0 : i32
    %dma_wait3A_405 = tpu.memref_slice %arg10[%dma_wait3A_401, %dma_wait3A_404] : memref<2x128xf32, #tpu.memory_space<vmem>> -> memref<1x128xf32, #tpu.memory_space<vmem>>
    %dma_wait3A_406 = tpu.memref_squeeze %dma_wait3A_405 : memref<1x128xf32, #tpu.memory_space<vmem>> -> memref<128xf32, #tpu.memory_space<vmem>>
    %dma_wait3A_407 = arith.constant 0 : i32
    %dma_wait3A_408 = tpu.memref_slice %arg8[%dma_wait3A_400, %dma_wait3A_407] : memref<4x128xi32, #tpu.memory_space<vmem>> -> memref<1x128xi32, #tpu.memory_space<vmem>>
    %dma_wait3A_409 = tpu.memref_squeeze %dma_wait3A_408 : memref<1x128xi32, #tpu.memory_space<vmem>> -> memref<128xi32, #tpu.memory_space<vmem>>
    %dma_wait3A_410 = arith.constant 0 : i32
    %dma_wait3A_411 = tpu.memref_slice %arg4[%dma_wait3A_410] : memref<1000000xf32, #tpu.memory_space<hbm>> -> memref<1000000xf32, #tpu.memory_space<hbm>>
    %dma_wait3A_412 = tpu.memref_slice %arg14[%dma_wait3A_402, %dma_wait3A_403] : memref<2x2x!tpu.dma_semaphore, #tpu.memory_space<semaphore_mem>> -> memref<1x1x!tpu.dma_semaphore, #tpu.memory_space<semaphore_mem>>
    %dma_wait3A_413 = tpu.memref_squeeze %dma_wait3A_412 : memref<1x1x!tpu.dma_semaphore, #tpu.memory_space<semaphore_mem>> -> memref<!tpu.dma_semaphore, #tpu.memory_space<semaphore_mem>>
    tpu.wait_indirect_dma semaphore(%dma_wait3A_413 : memref<!tpu.dma_semaphore, #tpu.memory_space<semaphore_mem>>) src(%dma_wait3A_411 : memref<1000000xf32, #tpu.memory_space<hbm>>) dst(%dma_wait3A_406 : memref<128xf32, #tpu.memory_space<vmem>>)
    %dma_wait3A_414 = arith.constant 2 : i32
    %dma_wait3A_415 = arith.constant 0 : i32
    %dma_wait3A_416 = arith.constant 1 : i32
    %dma_wait3A_417 = arith.constant 0 : i32
    %dma_wait3A_418 = arith.constant 0 : i32
    %dma_wait3A_419 = tpu.memref_slice %arg11[%dma_wait3A_415, %dma_wait3A_418] : memref<2x128xf32, #tpu.memory_space<vmem>> -> memref<1x128xf32, #tpu.memory_space<vmem>>
    %dma_wait3A_420 = tpu.memref_squeeze %dma_wait3A_419 : memref<1x128xf32, #tpu.memory_space<vmem>> -> memref<128xf32, #tpu.memory_space<vmem>>
    %dma_wait3A_421 = arith.constant 0 : i32
    %dma_wait3A_422 = tpu.memref_slice %arg9[%dma_wait3A_414, %dma_wait3A_421] : memref<4x128xi32, #tpu.memory_space<vmem>> -> memref<1x128xi32, #tpu.memory_space<vmem>>
    %dma_wait3A_423 = tpu.memref_squeeze %dma_wait3A_422 : memref<1x128xi32, #tpu.memory_space<vmem>> -> memref<128xi32, #tpu.memory_space<vmem>>
    %dma_wait3A_424 = arith.constant 0 : i32
    %dma_wait3A_425 = tpu.memref_slice %arg5[%dma_wait3A_424] : memref<1000000xf32, #tpu.memory_space<hbm>> -> memref<1000000xf32, #tpu.memory_space<hbm>>
    %dma_wait3A_426 = tpu.memref_slice %arg14[%dma_wait3A_416, %dma_wait3A_417] : memref<2x2x!tpu.dma_semaphore, #tpu.memory_space<semaphore_mem>> -> memref<1x1x!tpu.dma_semaphore, #tpu.memory_space<semaphore_mem>>
    %dma_wait3A_427 = tpu.memref_squeeze %dma_wait3A_426 : memref<1x1x!tpu.dma_semaphore, #tpu.memory_space<semaphore_mem>> -> memref<!tpu.dma_semaphore, #tpu.memory_space<semaphore_mem>>
    tpu.wait_indirect_dma semaphore(%dma_wait3A_427 : memref<!tpu.dma_semaphore, #tpu.memory_space<semaphore_mem>>) src(%dma_wait3A_425 : memref<1000000xf32, #tpu.memory_space<hbm>>) dst(%dma_wait3A_420 : memref<128xf32, #tpu.memory_space<vmem>>)
    %get3A_428 = arith.constant 0 : i32
    %get3A_429 = arith.index_cast %get3A_428 : i32 to index
    %get3A_430 = arith.constant 0 : index
    %get3A_431 = tpu.vector_load %arg10[%get3A_429, %get3A_430] {strides = array<i32>} : memref<2x128xf32, #tpu.memory_space<vmem>>, vector<16xf32>,
    %get3A_432 = arith.constant 0 : i32
    %get3A_433 = arith.index_cast %get3A_432 : i32 to index
    %get3A_434 = arith.constant 0 : index
    %get3A_435 = tpu.vector_load %arg11[%get3A_433, %get3A_434] {strides = array<i32>} : memref<2x128xf32, #tpu.memory_space<vmem>>, vector<16xf32>,
    %add3A_436 = arith.addf %get3A_431, %get3A_435 : vector<16xf32>
    %add3A_437 = vector.broadcast %squeeze3A : f32 to vector<16xf32>
    %add3A_438 = arith.addf %add3A_436, %add3A_437 : vector<16xf32>
    %swap3A_439 = arith.constant 256 : index
    %swap3A_440 = tpu.vector_load %arg13[%swap3A_439] {strides = array<i32>} : memref<512xf32, #tpu.memory_space<vmem>>, vector<16xf32>,
    tpu.vector_store %arg13[%swap3A_439], %add3A_438 {strides = array<i32>} : memref<512xf32, #tpu.memory_space<vmem>>, vector<16xf32>,
    %get3A_441 = arith.constant 0 : i32
    %get3A_442 = arith.index_cast %get3A_441 : i32 to index
    %get3A_443 = arith.constant 16 : index
    %get3A_444 = tpu.vector_load %arg10[%get3A_442, %get3A_443] {strides = array<i32>} : memref<2x128xf32, #tpu.memory_space<vmem>>, vector<16xf32>,
    %get3A_445 = arith.constant 0 : i32
    %get3A_446 = arith.index_cast %get3A_445 : i32 to index
    %get3A_447 = arith.constant 16 : index
    %get3A_448 = tpu.vector_load %arg11[%get3A_446, %get3A_447] {strides = array<i32>} : memref<2x128xf32, #tpu.memory_space<vmem>>, vector<16xf32>,
    %add3A_449 = arith.addf %get3A_444, %get3A_448 : vector<16xf32>
    %add3A_450 = vector.broadcast %squeeze3A : f32 to vector<16xf32>
    %add3A_451 = arith.addf %add3A_449, %add3A_450 : vector<16xf32>
    %swap3A_452 = arith.constant 272 : index
    %swap3A_453 = tpu.vector_load %arg13[%swap3A_452] {strides = array<i32>} : memref<512xf32, #tpu.memory_space<vmem>>, vector<16xf32>,
    tpu.vector_store %arg13[%swap3A_452], %add3A_451 {strides = array<i32>} : memref<512xf32, #tpu.memory_space<vmem>>, vector<16xf32>,
    %get3A_454 = arith.constant 0 : i32
    %get3A_455 = arith.index_cast %get3A_454 : i32 to index
    %get3A_456 = arith.constant 32 : index
    %get3A_457 = tpu.vector_load %arg10[%get3A_455, %get3A_456] {strides = array<i32>} : memref<2x128xf32, #tpu.memory_space<vmem>>, vector<16xf32>,
    %get3A_458 = arith.constant 0 : i32
    %get3A_459 = arith.index_cast %get3A_458 : i32 to index
    %get3A_460 = arith.constant 32 : index
    %get3A_461 = tpu.vector_load %arg11[%get3A_459, %get3A_460] {strides = array<i32>} : memref<2x128xf32, #tpu.memory_space<vmem>>, vector<16xf32>,
    %add3A_462 = arith.addf %get3A_457, %get3A_461 : vector<16xf32>
    %add3A_463 = vector.broadcast %squeeze3A : f32 to vector<16xf32>
    %add3A_464 = arith.addf %add3A_462, %add3A_463 : vector<16xf32>
    %swap3A_465 = arith.constant 288 : index
    %swap3A_466 = tpu.vector_load %arg13[%swap3A_465] {strides = array<i32>} : memref<512xf32, #tpu.memory_space<vmem>>, vector<16xf32>,
    tpu.vector_store %arg13[%swap3A_465], %add3A_464 {strides = array<i32>} : memref<512xf32, #tpu.memory_space<vmem>>, vector<16xf32>,
    %get3A_467 = arith.constant 0 : i32
    %get3A_468 = arith.index_cast %get3A_467 : i32 to index
    %get3A_469 = arith.constant 48 : index
    %get3A_470 = tpu.vector_load %arg10[%get3A_468, %get3A_469] {strides = array<i32>} : memref<2x128xf32, #tpu.memory_space<vmem>>, vector<16xf32>,
    %get3A_471 = arith.constant 0 : i32
    %get3A_472 = arith.index_cast %get3A_471 : i32 to index
    %get3A_473 = arith.constant 48 : index
    %get3A_474 = tpu.vector_load %arg11[%get3A_472, %get3A_473] {strides = array<i32>} : memref<2x128xf32, #tpu.memory_space<vmem>>, vector<16xf32>,
    %add3A_475 = arith.addf %get3A_470, %get3A_474 : vector<16xf32>
    %add3A_476 = vector.broadcast %squeeze3A : f32 to vector<16xf32>
    %add3A_477 = arith.addf %add3A_475, %add3A_476 : vector<16xf32>
    %swap3A_478 = arith.constant 304 : index
    %swap3A_479 = tpu.vector_load %arg13[%swap3A_478] {strides = array<i32>} : memref<512xf32, #tpu.memory_space<vmem>>, vector<16xf32>,
    tpu.vector_store %arg13[%swap3A_478], %add3A_477 {strides = array<i32>} : memref<512xf32, #tpu.memory_space<vmem>>, vector<16xf32>,
    %get3A_480 = arith.constant 0 : i32
    %get3A_481 = arith.index_cast %get3A_480 : i32 to index
    %get3A_482 = arith.constant 64 : index
    %get3A_483 = tpu.vector_load %arg10[%get3A_481, %get3A_482] {strides = array<i32>} : memref<2x128xf32, #tpu.memory_space<vmem>>, vector<16xf32>,
    %get3A_484 = arith.constant 0 : i32
    %get3A_485 = arith.index_cast %get3A_484 : i32 to index
    %get3A_486 = arith.constant 64 : index
    %get3A_487 = tpu.vector_load %arg11[%get3A_485, %get3A_486] {strides = array<i32>} : memref<2x128xf32, #tpu.memory_space<vmem>>, vector<16xf32>,
    %add3A_488 = arith.addf %get3A_483, %get3A_487 : vector<16xf32>
    %add3A_489 = vector.broadcast %squeeze3A : f32 to vector<16xf32>
    %add3A_490 = arith.addf %add3A_488, %add3A_489 : vector<16xf32>
    %swap3A_491 = arith.constant 320 : index
    %swap3A_492 = tpu.vector_load %arg13[%swap3A_491] {strides = array<i32>} : memref<512xf32, #tpu.memory_space<vmem>>, vector<16xf32>,
    tpu.vector_store %arg13[%swap3A_491], %add3A_490 {strides = array<i32>} : memref<512xf32, #tpu.memory_space<vmem>>, vector<16xf32>,
    %get3A_493 = arith.constant 0 : i32
    %get3A_494 = arith.index_cast %get3A_493 : i32 to index
    %get3A_495 = arith.constant 80 : index
    %get3A_496 = tpu.vector_load %arg10[%get3A_494, %get3A_495] {strides = array<i32>} : memref<2x128xf32, #tpu.memory_space<vmem>>, vector<16xf32>,
    %get3A_497 = arith.constant 0 : i32
    %get3A_498 = arith.index_cast %get3A_497 : i32 to index
    %get3A_499 = arith.constant 80 : index
    %get3A_500 = tpu.vector_load %arg11[%get3A_498, %get3A_499] {strides = array<i32>} : memref<2x128xf32, #tpu.memory_space<vmem>>, vector<16xf32>,
    %add3A_501 = arith.addf %get3A_496, %get3A_500 : vector<16xf32>
    %add3A_502 = vector.broadcast %squeeze3A : f32 to vector<16xf32>
    %add3A_503 = arith.addf %add3A_501, %add3A_502 : vector<16xf32>
    %swap3A_504 = arith.constant 336 : index
    %swap3A_505 = tpu.vector_load %arg13[%swap3A_504] {strides = array<i32>} : memref<512xf32, #tpu.memory_space<vmem>>, vector<16xf32>,
    tpu.vector_store %arg13[%swap3A_504], %add3A_503 {strides = array<i32>} : memref<512xf32, #tpu.memory_space<vmem>>, vector<16xf32>,
    %get3A_506 = arith.constant 0 : i32
    %get3A_507 = arith.index_cast %get3A_506 : i32 to index
    %get3A_508 = arith.constant 96 : index
    %get3A_509 = tpu.vector_load %arg10[%get3A_507, %get3A_508] {strides = array<i32>} : memref<2x128xf32, #tpu.memory_space<vmem>>, vector<16xf32>,
    %get3A_510 = arith.constant 0 : i32
    %get3A_511 = arith.index_cast %get3A_510 : i32 to index
    %get3A_512 = arith.constant 96 : index
    %get3A_513 = tpu.vector_load %arg11[%get3A_511, %get3A_512] {strides = array<i32>} : memref<2x128xf32, #tpu.memory_space<vmem>>, vector<16xf32>,
    %add3A_514 = arith.addf %get3A_509, %get3A_513 : vector<16xf32>
    %add3A_515 = vector.broadcast %squeeze3A : f32 to vector<16xf32>
    %add3A_516 = arith.addf %add3A_514, %add3A_515 : vector<16xf32>
    %swap3A_517 = arith.constant 352 : index
    %swap3A_518 = tpu.vector_load %arg13[%swap3A_517] {strides = array<i32>} : memref<512xf32, #tpu.memory_space<vmem>>, vector<16xf32>,
    tpu.vector_store %arg13[%swap3A_517], %add3A_516 {strides = array<i32>} : memref<512xf32, #tpu.memory_space<vmem>>, vector<16xf32>,
    %get3A_519 = arith.constant 0 : i32
    %get3A_520 = arith.index_cast %get3A_519 : i32 to index
    %get3A_521 = arith.constant 112 : index
    %get3A_522 = tpu.vector_load %arg10[%get3A_520, %get3A_521] {strides = array<i32>} : memref<2x128xf32, #tpu.memory_space<vmem>>, vector<16xf32>,
    %get3A_523 = arith.constant 0 : i32
    %get3A_524 = arith.index_cast %get3A_523 : i32 to index
    %get3A_525 = arith.constant 112 : index
    %get3A_526 = tpu.vector_load %arg11[%get3A_524, %get3A_525] {strides = array<i32>} : memref<2x128xf32, #tpu.memory_space<vmem>>, vector<16xf32>,
    %add3A_527 = arith.addf %get3A_522, %get3A_526 : vector<16xf32>
    %add3A_528 = vector.broadcast %squeeze3A : f32 to vector<16xf32>
    %add3A_529 = arith.addf %add3A_527, %add3A_528 : vector<16xf32>
    %swap3A_530 = arith.constant 368 : index
    %swap3A_531 = tpu.vector_load %arg13[%swap3A_530] {strides = array<i32>} : memref<512xf32, #tpu.memory_space<vmem>>, vector<16xf32>,
    tpu.vector_store %arg13[%swap3A_530], %add3A_529 {strides = array<i32>} : memref<512xf32, #tpu.memory_space<vmem>>, vector<16xf32>,
    %dma_wait3A_532 = arith.constant 3 : i32
    %dma_wait3A_533 = arith.constant 1 : i32
    %dma_wait3A_534 = arith.constant 0 : i32
    %dma_wait3A_535 = arith.constant 1 : i32
    %dma_wait3A_536 = arith.constant 0 : i32
    %dma_wait3A_537 = tpu.memref_slice %arg10[%dma_wait3A_533, %dma_wait3A_536] : memref<2x128xf32, #tpu.memory_space<vmem>> -> memref<1x128xf32, #tpu.memory_space<vmem>>
    %dma_wait3A_538 = tpu.memref_squeeze %dma_wait3A_537 : memref<1x128xf32, #tpu.memory_space<vmem>> -> memref<128xf32, #tpu.memory_space<vmem>>
    %dma_wait3A_539 = arith.constant 0 : i32
    %dma_wait3A_540 = tpu.memref_slice %arg8[%dma_wait3A_532, %dma_wait3A_539] : memref<4x128xi32, #tpu.memory_space<vmem>> -> memref<1x128xi32, #tpu.memory_space<vmem>>
    %dma_wait3A_541 = tpu.memref_squeeze %dma_wait3A_540 : memref<1x128xi32, #tpu.memory_space<vmem>> -> memref<128xi32, #tpu.memory_space<vmem>>
    %dma_wait3A_542 = arith.constant 0 : i32
    %dma_wait3A_543 = tpu.memref_slice %arg4[%dma_wait3A_542] : memref<1000000xf32, #tpu.memory_space<hbm>> -> memref<1000000xf32, #tpu.memory_space<hbm>>
    %dma_wait3A_544 = tpu.memref_slice %arg14[%dma_wait3A_534, %dma_wait3A_535] : memref<2x2x!tpu.dma_semaphore, #tpu.memory_space<semaphore_mem>> -> memref<1x1x!tpu.dma_semaphore, #tpu.memory_space<semaphore_mem>>
    %dma_wait3A_545 = tpu.memref_squeeze %dma_wait3A_544 : memref<1x1x!tpu.dma_semaphore, #tpu.memory_space<semaphore_mem>> -> memref<!tpu.dma_semaphore, #tpu.memory_space<semaphore_mem>>
    tpu.wait_indirect_dma semaphore(%dma_wait3A_545 : memref<!tpu.dma_semaphore, #tpu.memory_space<semaphore_mem>>) src(%dma_wait3A_543 : memref<1000000xf32, #tpu.memory_space<hbm>>) dst(%dma_wait3A_538 : memref<128xf32, #tpu.memory_space<vmem>>)
    %dma_wait3A_546 = arith.constant 3 : i32
    %dma_wait3A_547 = arith.constant 1 : i32
    %dma_wait3A_548 = arith.constant 1 : i32
    %dma_wait3A_549 = arith.constant 1 : i32
    %dma_wait3A_550 = arith.constant 0 : i32
    %dma_wait3A_551 = tpu.memref_slice %arg11[%dma_wait3A_547, %dma_wait3A_550] : memref<2x128xf32, #tpu.memory_space<vmem>> -> memref<1x128xf32, #tpu.memory_space<vmem>>
    %dma_wait3A_552 = tpu.memref_squeeze %dma_wait3A_551 : memref<1x128xf32, #tpu.memory_space<vmem>> -> memref<128xf32, #tpu.memory_space<vmem>>
    %dma_wait3A_553 = arith.constant 0 : i32
    %dma_wait3A_554 = tpu.memref_slice %arg9[%dma_wait3A_546, %dma_wait3A_553] : memref<4x128xi32, #tpu.memory_space<vmem>> -> memref<1x128xi32, #tpu.memory_space<vmem>>
    %dma_wait3A_555 = tpu.memref_squeeze %dma_wait3A_554 : memref<1x128xi32, #tpu.memory_space<vmem>> -> memref<128xi32, #tpu.memory_space<vmem>>
    %dma_wait3A_556 = arith.constant 0 : i32
    %dma_wait3A_557 = tpu.memref_slice %arg5[%dma_wait3A_556] : memref<1000000xf32, #tpu.memory_space<hbm>> -> memref<1000000xf32, #tpu.memory_space<hbm>>
    %dma_wait3A_558 = tpu.memref_slice %arg14[%dma_wait3A_548, %dma_wait3A_549] : memref<2x2x!tpu.dma_semaphore, #tpu.memory_space<semaphore_mem>> -> memref<1x1x!tpu.dma_semaphore, #tpu.memory_space<semaphore_mem>>
    %dma_wait3A_559 = tpu.memref_squeeze %dma_wait3A_558 : memref<1x1x!tpu.dma_semaphore, #tpu.memory_space<semaphore_mem>> -> memref<!tpu.dma_semaphore, #tpu.memory_space<semaphore_mem>>
    tpu.wait_indirect_dma semaphore(%dma_wait3A_559 : memref<!tpu.dma_semaphore, #tpu.memory_space<semaphore_mem>>) src(%dma_wait3A_557 : memref<1000000xf32, #tpu.memory_space<hbm>>) dst(%dma_wait3A_552 : memref<128xf32, #tpu.memory_space<vmem>>)
    %get3A_560 = arith.constant 1 : i32
    %get3A_561 = arith.index_cast %get3A_560 : i32 to index
    %get3A_562 = arith.constant 0 : index
    %get3A_563 = tpu.vector_load %arg10[%get3A_561, %get3A_562] {strides = array<i32>} : memref<2x128xf32, #tpu.memory_space<vmem>>, vector<16xf32>,
    %get3A_564 = arith.constant 1 : i32
    %get3A_565 = arith.index_cast %get3A_564 : i32 to index
    %get3A_566 = arith.constant 0 : index
    %get3A_567 = tpu.vector_load %arg11[%get3A_565, %get3A_566] {strides = array<i32>} : memref<2x128xf32, #tpu.memory_space<vmem>>, vector<16xf32>,
    %add3A_568 = arith.addf %get3A_563, %get3A_567 : vector<16xf32>
    %add3A_569 = vector.broadcast %squeeze3A : f32 to vector<16xf32>
    %add3A_570 = arith.addf %add3A_568, %add3A_569 : vector<16xf32>
    %swap3A_571 = arith.constant 384 : index
    %swap3A_572 = tpu.vector_load %arg13[%swap3A_571] {strides = array<i32>} : memref<512xf32, #tpu.memory_space<vmem>>, vector<16xf32>,
    tpu.vector_store %arg13[%swap3A_571], %add3A_570 {strides = array<i32>} : memref<512xf32, #tpu.memory_space<vmem>>, vector<16xf32>,
    %get3A_573 = arith.constant 1 : i32
    %get3A_574 = arith.index_cast %get3A_573 : i32 to index
    %get3A_575 = arith.constant 16 : index
    %get3A_576 = tpu.vector_load %arg10[%get3A_574, %get3A_575] {strides = array<i32>} : memref<2x128xf32, #tpu.memory_space<vmem>>, vector<16xf32>,
    %get3A_577 = arith.constant 1 : i32
    %get3A_578 = arith.index_cast %get3A_577 : i32 to index
    %get3A_579 = arith.constant 16 : index
    %get3A_580 = tpu.vector_load %arg11[%get3A_578, %get3A_579] {strides = array<i32>} : memref<2x128xf32, #tpu.memory_space<vmem>>, vector<16xf32>,
    %add3A_581 = arith.addf %get3A_576, %get3A_580 : vector<16xf32>
    %add3A_582 = vector.broadcast %squeeze3A : f32 to vector<16xf32>
    %add3A_583 = arith.addf %add3A_581, %add3A_582 : vector<16xf32>
    %swap3A_584 = arith.constant 400 : index
    %swap3A_585 = tpu.vector_load %arg13[%swap3A_584] {strides = array<i32>} : memref<512xf32, #tpu.memory_space<vmem>>, vector<16xf32>,
    tpu.vector_store %arg13[%swap3A_584], %add3A_583 {strides = array<i32>} : memref<512xf32, #tpu.memory_space<vmem>>, vector<16xf32>,
    %get3A_586 = arith.constant 1 : i32
    %get3A_587 = arith.index_cast %get3A_586 : i32 to index
    %get3A_588 = arith.constant 32 : index
    %get3A_589 = tpu.vector_load %arg10[%get3A_587, %get3A_588] {strides = array<i32>} : memref<2x128xf32, #tpu.memory_space<vmem>>, vector<16xf32>,
    %get3A_590 = arith.constant 1 : i32
    %get3A_591 = arith.index_cast %get3A_590 : i32 to index
    %get3A_592 = arith.constant 32 : index
    %get3A_593 = tpu.vector_load %arg11[%get3A_591, %get3A_592] {strides = array<i32>} : memref<2x128xf32, #tpu.memory_space<vmem>>, vector<16xf32>,
    %add3A_594 = arith.addf %get3A_589, %get3A_593 : vector<16xf32>
    %add3A_595 = vector.broadcast %squeeze3A : f32 to vector<16xf32>
    %add3A_596 = arith.addf %add3A_594, %add3A_595 : vector<16xf32>
    %swap3A_597 = arith.constant 416 : index
    %swap3A_598 = tpu.vector_load %arg13[%swap3A_597] {strides = array<i32>} : memref<512xf32, #tpu.memory_space<vmem>>, vector<16xf32>,
    tpu.vector_store %arg13[%swap3A_597], %add3A_596 {strides = array<i32>} : memref<512xf32, #tpu.memory_space<vmem>>, vector<16xf32>,
    %get3A_599 = arith.constant 1 : i32
    %get3A_600 = arith.index_cast %get3A_599 : i32 to index
    %get3A_601 = arith.constant 48 : index
    %get3A_602 = tpu.vector_load %arg10[%get3A_600, %get3A_601] {strides = array<i32>} : memref<2x128xf32, #tpu.memory_space<vmem>>, vector<16xf32>,
    %get3A_603 = arith.constant 1 : i32
    %get3A_604 = arith.index_cast %get3A_603 : i32 to index
    %get3A_605 = arith.constant 48 : index
    %get3A_606 = tpu.vector_load %arg11[%get3A_604, %get3A_605] {strides = array<i32>} : memref<2x128xf32, #tpu.memory_space<vmem>>, vector<16xf32>,
    %add3A_607 = arith.addf %get3A_602, %get3A_606 : vector<16xf32>
    %add3A_608 = vector.broadcast %squeeze3A : f32 to vector<16xf32>
    %add3A_609 = arith.addf %add3A_607, %add3A_608 : vector<16xf32>
    %swap3A_610 = arith.constant 432 : index
    %swap3A_611 = tpu.vector_load %arg13[%swap3A_610] {strides = array<i32>} : memref<512xf32, #tpu.memory_space<vmem>>, vector<16xf32>,
    tpu.vector_store %arg13[%swap3A_610], %add3A_609 {strides = array<i32>} : memref<512xf32, #tpu.memory_space<vmem>>, vector<16xf32>,
    %get3A_612 = arith.constant 1 : i32
    %get3A_613 = arith.index_cast %get3A_612 : i32 to index
    %get3A_614 = arith.constant 64 : index
    %get3A_615 = tpu.vector_load %arg10[%get3A_613, %get3A_614] {strides = array<i32>} : memref<2x128xf32, #tpu.memory_space<vmem>>, vector<16xf32>,
    %get3A_616 = arith.constant 1 : i32
    %get3A_617 = arith.index_cast %get3A_616 : i32 to index
    %get3A_618 = arith.constant 64 : index
    %get3A_619 = tpu.vector_load %arg11[%get3A_617, %get3A_618] {strides = array<i32>} : memref<2x128xf32, #tpu.memory_space<vmem>>, vector<16xf32>,
    %add3A_620 = arith.addf %get3A_615, %get3A_619 : vector<16xf32>
    %add3A_621 = vector.broadcast %squeeze3A : f32 to vector<16xf32>
    %add3A_622 = arith.addf %add3A_620, %add3A_621 : vector<16xf32>
    %swap3A_623 = arith.constant 448 : index
    %swap3A_624 = tpu.vector_load %arg13[%swap3A_623] {strides = array<i32>} : memref<512xf32, #tpu.memory_space<vmem>>, vector<16xf32>,
    tpu.vector_store %arg13[%swap3A_623], %add3A_622 {strides = array<i32>} : memref<512xf32, #tpu.memory_space<vmem>>, vector<16xf32>,
    %get3A_625 = arith.constant 1 : i32
    %get3A_626 = arith.index_cast %get3A_625 : i32 to index
    %get3A_627 = arith.constant 80 : index
    %get3A_628 = tpu.vector_load %arg10[%get3A_626, %get3A_627] {strides = array<i32>} : memref<2x128xf32, #tpu.memory_space<vmem>>, vector<16xf32>,
    %get3A_629 = arith.constant 1 : i32
    %get3A_630 = arith.index_cast %get3A_629 : i32 to index
    %get3A_631 = arith.constant 80 : index
    %get3A_632 = tpu.vector_load %arg11[%get3A_630, %get3A_631] {strides = array<i32>} : memref<2x128xf32, #tpu.memory_space<vmem>>, vector<16xf32>,
    %add3A_633 = arith.addf %get3A_628, %get3A_632 : vector<16xf32>
    %add3A_634 = vector.broadcast %squeeze3A : f32 to vector<16xf32>
    %add3A_635 = arith.addf %add3A_633, %add3A_634 : vector<16xf32>
    %swap3A_636 = arith.constant 464 : index
    %swap3A_637 = tpu.vector_load %arg13[%swap3A_636] {strides = array<i32>} : memref<512xf32, #tpu.memory_space<vmem>>, vector<16xf32>,
    tpu.vector_store %arg13[%swap3A_636], %add3A_635 {strides = array<i32>} : memref<512xf32, #tpu.memory_space<vmem>>, vector<16xf32>,
    %get3A_638 = arith.constant 1 : i32
    %get3A_639 = arith.index_cast %get3A_638 : i32 to index
    %get3A_640 = arith.constant 96 : index
    %get3A_641 = tpu.vector_load %arg10[%get3A_639, %get3A_640] {strides = array<i32>} : memref<2x128xf32, #tpu.memory_space<vmem>>, vector<16xf32>,
    %get3A_642 = arith.constant 1 : i32
    %get3A_643 = arith.index_cast %get3A_642 : i32 to index
    %get3A_644 = arith.constant 96 : index
    %get3A_645 = tpu.vector_load %arg11[%get3A_643, %get3A_644] {strides = array<i32>} : memref<2x128xf32, #tpu.memory_space<vmem>>, vector<16xf32>,
    %add3A_646 = arith.addf %get3A_641, %get3A_645 : vector<16xf32>
    %add3A_647 = vector.broadcast %squeeze3A : f32 to vector<16xf32>
    %add3A_648 = arith.addf %add3A_646, %add3A_647 : vector<16xf32>
    %swap3A_649 = arith.constant 480 : index
    %swap3A_650 = tpu.vector_load %arg13[%swap3A_649] {strides = array<i32>} : memref<512xf32, #tpu.memory_space<vmem>>, vector<16xf32>,
    tpu.vector_store %arg13[%swap3A_649], %add3A_648 {strides = array<i32>} : memref<512xf32, #tpu.memory_space<vmem>>, vector<16xf32>,
    %get3A_651 = arith.constant 1 : i32
    %get3A_652 = arith.index_cast %get3A_651 : i32 to index
    %get3A_653 = arith.constant 112 : index
    %get3A_654 = tpu.vector_load %arg10[%get3A_652, %get3A_653] {strides = array<i32>} : memref<2x128xf32, #tpu.memory_space<vmem>>, vector<16xf32>,
    %get3A_655 = arith.constant 1 : i32
    %get3A_656 = arith.index_cast %get3A_655 : i32 to index
    %get3A_657 = arith.constant 112 : index
    %get3A_658 = tpu.vector_load %arg11[%get3A_656, %get3A_657] {strides = array<i32>} : memref<2x128xf32, #tpu.memory_space<vmem>>, vector<16xf32>,
    %add3A_659 = arith.addf %get3A_654, %get3A_658 : vector<16xf32>
    %add3A_660 = vector.broadcast %squeeze3A : f32 to vector<16xf32>
    %add3A_661 = arith.addf %add3A_659, %add3A_660 : vector<16xf32>
    %swap3A_662 = arith.constant 496 : index
    %swap3A_663 = tpu.vector_load %arg13[%swap3A_662] {strides = array<i32>} : memref<512xf32, #tpu.memory_space<vmem>>, vector<16xf32>,
    tpu.vector_store %arg13[%swap3A_662], %add3A_661 {strides = array<i32>} : memref<512xf32, #tpu.memory_space<vmem>>, vector<16xf32>,
    "tpu.region"() ({
      %run_scoped3A_664 = tpu.sem_alloc : memref<!tpu.dma_semaphore, #tpu.memory_space<semaphore_mem>>
      %dma_start3A_665 = tpu.memref_slice %arg7[%mul3A_2] : memref<16384xf32, #tpu.memory_space<hbm>> -> memref<512xf32, #tpu.memory_space<hbm>>
      %dma_start3A_666 = tpu.memref_slice %arg7[%mul3A_2] : memref<16384xf32, #tpu.memory_space<hbm>> -> memref<512xf32, #tpu.memory_space<hbm>>
      tpu.enqueue_dma source(%arg13 : memref<512xf32, #tpu.memory_space<vmem>>) target(%dma_start3A_666 : memref<512xf32, #tpu.memory_space<hbm>>) target_semaphore(%run_scoped3A_664 : memref<!tpu.dma_semaphore, #tpu.memory_space<semaphore_mem>>)
      %dma_wait3A_667 = tpu.memref_slice %arg7[%mul3A_2] : memref<16384xf32, #tpu.memory_space<hbm>> -> memref<512xf32, #tpu.memory_space<hbm>>
      %dma_wait3A_668 = tpu.memref_slice %arg7[%mul3A_2] : memref<16384xf32, #tpu.memory_space<hbm>> -> memref<512xf32, #tpu.memory_space<hbm>>
      tpu.wait_dma2 semaphore(%run_scoped3A_664 : memref<!tpu.dma_semaphore, #tpu.memory_space<semaphore_mem>>) src(%arg13 : memref<512xf32, #tpu.memory_space<vmem>>) dst(%dma_wait3A_668 : memref<512xf32, #tpu.memory_space<hbm>>)
      tpu.yield
    }) : () -> ()
    return
  }
}

module attributes {stable_mosaic.version = 14 : i64} {
  func.func @_proj_body(%arg0: i32, %arg1: memref<1x64xf32, #tpu.memory_space<vmem>>, %arg2: memref<32x32768xf32, #tpu.memory_space<vmem>>, %arg3: memref<32x32768xf32, #tpu.memory_space<vmem>>, %arg4: memref<32768xf32, #tpu.memory_space<vmem>>, %arg5: memref<32768xf32, #tpu.memory_space<vmem>>) attributes {dimension_semantics = [#tpu.dimension_semantics<arbitrary>], iteration_bounds = array<i64: 31>, scalar_prefetch = 0 : i64, scratch_operands = 0 : i64, tpu.core_type = #tpu.core_type<tc>, window_params = [{pipeline_mode = #tpu.pipeline_mode<synchronous>, transform_indices = @transform_0, window_bounds = array<i64: 1, 64>}, {transform_indices = @transform_1, window_bounds = array<i64: 32, 32768>}, {transform_indices = @transform_2, window_bounds = array<i64: 32, 32768>}, {transform_indices = @transform_3, window_bounds = array<i64: 32768>}, {transform_indices = @transform_4, window_bounds = array<i64: 32768>}]} {
    %get3A = arith.constant 0 : index
    %get3A_0 = arith.constant 0 : index
    %get3A_1 = vector.load %arg1[%get3A, %get3A_0] : memref<1x64xf32, #tpu.memory_space<vmem>>, vector<1x32xf32>
    %get3A_2 = vector.shape_cast %get3A_1 : vector<1x32xf32> to vector<32xf32>
    %reshape3A = vector.shape_cast %get3A_2 : vector<32xf32> to vector<32x1xf32>
    %get3A_3 = arith.constant 0 : index
    %get3A_4 = arith.constant 32 : index
    %get3A_5 = vector.load %arg1[%get3A_3, %get3A_4] : memref<1x64xf32, #tpu.memory_space<vmem>>, vector<1x32xf32>
    %get3A_6 = vector.shape_cast %get3A_5 : vector<1x32xf32> to vector<32xf32>
    %reshape3A_7 = vector.shape_cast %get3A_6 : vector<32xf32> to vector<32x1xf32>
    %get3A_8 = arith.constant 0 : index
    %get3A_9 = arith.constant 0 : index
    %get3A_10 = vector.load %arg2[%get3A_8, %get3A_9] : memref<32x32768xf32, #tpu.memory_space<vmem>>, vector<32x32768xf32>
    %mul3A = vector.broadcast %reshape3A : vector<32x1xf32> to vector<32x32768xf32>
    %mul3A_11 = arith.mulf %get3A_10, %mul3A : vector<32x32768xf32>
    %reduce_sum3A = arith.constant dense<0.000000e+00> : vector<32768xf32>
    %reduce_sum3A_12 = vector.multi_reduction <add>, %mul3A_11, %reduce_sum3A [0] : vector<32x32768xf32> to vector<32768xf32>
    %swap3A = arith.constant 0 : index
    %swap3A_13 = vector.load %arg4[%swap3A] : memref<32768xf32, #tpu.memory_space<vmem>>, vector<32768xf32>
    tpu.vector_store %arg4[%swap3A], %reduce_sum3A_12 {strides = array<i32>} : memref<32768xf32, #tpu.memory_space<vmem>>, vector<32768xf32>,
    %get3A_14 = arith.constant 0 : index
    %get3A_15 = arith.constant 0 : index
    %get3A_16 = vector.load %arg3[%get3A_14, %get3A_15] : memref<32x32768xf32, #tpu.memory_space<vmem>>, vector<32x32768xf32>
    %mul3A_17 = vector.broadcast %reshape3A_7 : vector<32x1xf32> to vector<32x32768xf32>
    %mul3A_18 = arith.mulf %get3A_16, %mul3A_17 : vector<32x32768xf32>
    %reduce_sum3A_19 = arith.constant dense<0.000000e+00> : vector<32768xf32>
    %reduce_sum3A_20 = vector.multi_reduction <add>, %mul3A_18, %reduce_sum3A_19 [0] : vector<32x32768xf32> to vector<32768xf32>
    %swap3A_21 = arith.constant 0 : index
    %swap3A_22 = vector.load %arg5[%swap3A_21] : memref<32768xf32, #tpu.memory_space<vmem>>, vector<32768xf32>
    tpu.vector_store %arg5[%swap3A_21], %reduce_sum3A_20 {strides = array<i32>} : memref<32768xf32, #tpu.memory_space<vmem>>, vector<32768xf32>,
    return
  }
  func.func @transform_0(%arg0: i32) -> (i32, i32) {
    %c0_i32 = arith.constant 0 : i32
    %c0_i32_0 = arith.constant 0 : i32
    %c0_i32_1 = arith.constant 0 : i32
    return %c0_i32, %c0_i32_0 : i32, i32
  }
  func.func @transform_1(%arg0: i32) -> (i32, i32) {
    %c0_i32 = arith.constant 0 : i32
    %c0_i32_0 = arith.constant 0 : i32
    return %c0_i32, %arg0 : i32, i32
  }
  func.func @transform_2(%arg0: i32) -> (i32, i32) {
    %c0_i32 = arith.constant 0 : i32
    %c0_i32_0 = arith.constant 0 : i32
    return %c0_i32, %arg0 : i32, i32
  }
  func.func @transform_3(%arg0: i32) -> i32 {
    %c0_i32 = arith.constant 0 : i32
    return %arg0 : i32
  }
  func.func @transform_4(%arg0: i32) -> i32 {
    %c0_i32 = arith.constant 0 : i32
    return %arg0 : i32
  }
}

</mosaic_0001>

<sc_bundles>
// kernel: kernel.4.cloned.1.call-start
scs
__scs_entry_jumppad:
0x0: {  	(pc) =	sbr.rel $0x88, $3  }
0x1: {  	(tag) =	ssettag $0x0;
	lr =	simm.s32 $0x1  }
0x2: {  	[smem:$0x3F9B] =	sst lr;
	_ =	strace $0xD0000000  }
0x3: {  	_ = 	snop  }
0x4: {  	_ = 	snop  }
0x5: {  	_ = 	snop  }
0x6: {  	_ = 	snop  }
0x7: {  	_ = 	snop  }
__scs_overlays_trampoline_lowered:
0x8: {  	[smem:$0x3FAA] =	sst s0  }
0x9: {  	[smem:$0x3FAB] =	sst s1  }
0xa: {  	[smem:$0x3FAC] =	sst s2  }
0xb: {  	[smem:$0x3FAD] =	sst s3  }
0xc: {  	[smem:$0x3FAE] =	sst s4  }
0xd: {  	[smem:$0x3FAF] =	sst s5  }
0xe: {  	[smem:$0x3FB0] =	sst s6  }
0xf: {  	[smem:$0x3FB1] =	sst s7  }
0x10: {  	[smem:$0x3FB2] =	sst s8  }
0x11: {  	[smem:$0x3FB3] =	sst s9;
	s0 =	simm.s32 @!p0 $0x0  }
0x12: {  	s1 =	sld [smem:$0x3F99];
	s0 =	simm.s32 @p0 $0x1  }
0x13: {  	[smem:$0x3FB4] =	sst s0;
	s0 =	simm.s32 @!p1 $0x0  }
0x14: {  	s2 =	sld [smem:$0x3F98];
	s0 =	simm.s32 @p1 $0x1  }
0x15: {  	[smem:$0x3FB5] =	sst s0;
	s0 =	simm.s32 @!p2 $0x0  }
0x16: {  	s3 =	sld [smem:$0x3FDB];
	s0 =	simm.s32 @p2 $0x1  }
0x17: {  	s4 =	simm.s32 $0x1BF5;
	[smem:$0x3FB7] =	sst s0  }
0x18: {  	s0 =	sld [smem:$0x3F9A];
	_ =	swait.ge [sflag:s4], $0x0  }
0x19: {  	s7 =	sld [smem:$0x3F9B]  }
0x1a: {  	s8 =	sadd.s32 $0xFFFFE003, lr  }
0x1b: {  	s9 =	sadd.s32 $0xFFFFFEF7, lr;
	s5 =	simm.s32 $0xFFFFFFFF;
	p2 =	slt.u32 s8, $0xFFFFF086  }
0x1c: {  	p1 =	slt.u32 s9, $0xF7A;
	s5 =	simm.s32 @!p2 $0x0  }
0x1d: {  	s5 =	simm.s32 @p1 $0x1;
	p0 =	seq.s32 s7, s2  }
0x1e: {  	s7 =	smul.u32 @!p0 $0xF7A, s2;
	p2 =	seq.s32 @!p0 s5, $0x0  }
0x1f: {  	s9 =	smul.u32 $0xF7A, s1;
	s8 =	simm.s32 @!p0 $0x1BF5;
	p2 =	por !p2, p0  }
0x20: {  	[sflag:s8] =	ssyncset.s32 @!p0 $0xFFFFF086;
	s6 =	sadd.s32 @!p0 s3, s7;
	s7 =	simm.s32 @!p0 $0x108  }
0x21: {  	s3 =	sadd.s32 s3, s9;
	s6 =	sadd.s32 @!p0 $0x88, s6;
	s7 =	simm.s32 @p2 $0x1082  }
0x22: {  	[simem:s7], [sflag:s8] =	dma.local @!p0 [hbm:s6], $0xF7A  }
0x23: {  	s9 =	sor.u32 $0xD0000000, s2;
	s6 =	simm.s32 $0x108;
	_ =	swait.ge @!p0 [sflag:s8], $0x0  }
0x24: {  	s3 =	sadd.s32 $0x88, s3;
	s6 =	simm.s32 @!p1 $0x1082;
	[sflag:s4] =	ssyncset.s32 $0xFFFFF086  }
0x25: {  	[simem:s6], [sflag:s4] =	dma.local [hbm:s3], $0xF7A  }
0x26: {  	[smem:$0x3F9B] =	sst s1;
	(tag) =	ssettag s2;
	_ =	strace s9  }
0x27: {  	s1 =	sld [smem:$0x3FAB]  }
0x28: {  	s2 =	sld [smem:$0x3FAC]  }
0x29: {  	s4 =	sld [smem:$0x3FAE]  }
0x2a: {  	p0 =	seq.s32 s5, $0x0;
	s5 =	sld [smem:$0x3FAF]  }
0x2b: {  	s6 =	sld [smem:$0x3FB0]  }
0x2c: {  	s7 =	sld [smem:$0x3FB1]  }
0x2d: {  	s3 =	simm.s32 $0x108;
	s8 =	sld [smem:$0x3FB2]  }
0x2e: {  	s3 =	simm.s32 @!p0 $0x1082;
	s9 =	sld [smem:$0x3FB3]  }
0x2f: {  	lr =	sadd.s32 s0, s3;
	s0 =	sld [smem:$0x3FAA]  }
0x30: {  	s3 =	sld [smem:$0x3FAD]  }
0x31: {  	[smem:$0x3FB6] =	sst s10  }
0x32: {  	s10 =	sld [smem:$0x3FB4];
	_ =	sdelay $0x3  }
0x33: {  	p0 =	seq.s32 s10, $0x1;
	s10 =	sld [smem:$0x3FB6];
	_ =	sdelay $0x3  }
0x34: {  	[smem:$0x3FB6] =	sst s10  }
0x35: {  	s10 =	sld [smem:$0x3FB5];
	_ =	sdelay $0x3  }
0x36: {  	p1 =	seq.s32 s10, $0x1;
	s10 =	sld [smem:$0x3FB6];
	_ =	sdelay $0x3  }
0x37: {  	[smem:$0x3FB6] =	sst s10  }
0x38: {  	s10 =	sld [smem:$0x3FB7]  }
0x39: {  	_ = 	snop;
	(pc) =	sbr.ind lr, $3  }
0x3a: {  	_ = 	snop  }
0x3b: {  	_ = 	snop  }
0x3c: {  	p2 =	seq.s32 s10, $0x1;
	s10 =	sld [smem:$0x3FB6]  }
0x3d: {  	_ =	shalt  }
0x3e: {  	_ =	shalt  }
0x3f: {  	_ =	shalt  }
0x40: {  	_ =	shalt  }
0x41: {  	_ =	shalt  }
0x42: {  	_ =	shalt  }
0x43: {  	_ =	shalt  }
0x44: {  	_ =	shalt  }
0x45: {  	_ =	shalt  }
0x46: {  	_ =	shalt  }
0x47: {  	_ =	shalt  }
0x48: {  	_ =	shalt  }
0x49: {  	_ =	shalt  }
0x4a: {  	_ =	shalt  }
0x4b: {  	_ =	shalt  }
0x4c: {  	_ =	shalt  }
0x4d: {  	_ =	shalt  }
0x4e: {  	_ =	shalt  }
0x4f: {  	_ =	shalt  }
0x50: {  	_ =	shalt  }
0x51: {  	_ =	shalt  }
0x52: {  	_ =	shalt  }
0x53: {  	_ =	shalt  }
0x54: {  	_ =	shalt  }
0x55: {  	_ =	shalt  }
0x56: {  	_ =	shalt  }
0x57: {  	_ =	shalt  }
0x58: {  	_ =	shalt  }
0x59: {  	_ =	shalt  }
0x5a: {  	_ =	shalt  }
0x5b: {  	_ =	shalt  }
0x5c: {  	_ =	shalt  }
0x5d: {  	_ =	shalt  }
0x5e: {  	_ =	shalt  }
0x5f: {  	_ =	shalt  }
0x60: {  	_ =	shalt  }
0x61: {  	_ =	shalt  }
0x62: {  	_ =	shalt  }
0x63: {  	_ =	shalt  }
0x64: {  	_ =	shalt  }
0x65: {  	_ =	shalt  }
0x66: {  	_ =	shalt  }
0x67: {  	_ =	shalt  }
0x68: {  	_ =	shalt  }
0x69: {  	_ =	shalt  }
0x6a: {  	_ =	shalt  }
0x6b: {  	_ =	shalt  }
0x6c: {  	_ =	shalt  }
0x6d: {  	_ =	shalt  }
0x6e: {  	_ =	shalt  }
0x6f: {  	_ =	shalt  }
0x70: {  	_ =	shalt  }
0x71: {  	_ =	shalt  }
0x72: {  	_ =	shalt  }
0x73: {  	_ =	shalt  }
0x74: {  	_ =	shalt  }
0x75: {  	_ =	shalt  }
0x76: {  	_ =	shalt  }
0x77: {  	_ =	shalt  }
0x78: {  	_ =	shalt  }
0x79: {  	_ =	shalt  }
0x7a: {  	_ =	shalt  }
0x7b: {  	_ =	shalt  }
0x7c: {  	_ =	shalt  }
0x7d: {  	_ =	shalt  }
0x7e: {  	_ =	shalt  }
0x7f: {  	_ =	shalt  }
0x80: {  	_ =	shalt  }
0x81: {  	_ =	shalt  }
0x82: {  	_ =	shalt  }
0x83: {  	_ =	shalt  }
0x84: {  	_ =	shalt  }
0x85: {  	_ =	shalt  }
0x86: {  	_ =	shalt  }
0x87: {  	_ =	shalt  }
.Lfunc_end0:
.L_simem_size_0:
called_computation_lowered:
.L_overlay_start_0:
0x88: {  	s2 =	sld [smem:$0x3FD9]  }
0x89: {  	s3 =	sld [smem:$0x3FFE];
	_ =	sdelay $0x1  }
0x8a: {  	s1 =	srdreg.scid  }
0x8b: {  	s0 =	sand.u32 $0x1, s1  }
0x8c: {  	s17 =	sshll.u32 s0, $0xA;
	s2 =	sadd.s32 s3, s2  }
0x8d: {  	s2 =	sadd.s32 s2, s17  }
0x8e: {  	[smem:$0x3FC2] =	sst s2  }
0x8f: {  	_ = 	snop  }
0x90: {  	s2 =	sld [smem:$0x3FC9]  }
0x91: {  	s18 =	sld [smem:$0x3FC8]  }
0x92: {  	s4 =	sld [smem:$0x3FD0];
	(tm) =	ssettm $0x1  }
0x93: {  	s5 =	sld [smem:$0x3FFB];
	_ =	sdelay $0x3  }
0x94: {  	_ =	strace s5  }
0x95: {  	s5 =	sld [smem:$0x3FFC];
	_ =	sdelay $0x3  }
0x96: {  	_ =	strace s5  }
0x97: {  	s5 =	sld [smem:$0x3FFD];
	_ =	sdelay $0x3  }
0x98: {  	_ =	strace s5  }
0x99: {  	_ =	strace $0x8FFFFFFF  }
0x9a: {  	s19 =	sld [smem:$0x3FDB];
	_ =	sdelay $0x1  }
0x9b: {  	s6 =	simm.s32 $_scs_section_size  }
0x9c: {  	s7 =	simm.s32 $_size__tile_overlayer_lowered;
	s8 =	simm.s32 $_tile_overlayer_lowered  }
0x9d: {  	s22 =	simm.s32 $0x1BFF;
	s21 =	sshll.u32 s8, $0x1;
	s5 =	sadd.s32 s6, s19  }
0x9e: {  	s9 =	simm.s32 $0x0;
	s20 =	sshll.u32 s7, $0x1;
	s7 =	sadd.s32 s21, s5  }
0x9f: {  	[timem:s9], [sflag:s22] =	dma.local [hbm:s7], s20  }
0xa0: {  	_ =	swait.ge [sflag:s22], s20  }
0xa1: {  	s6 =	ssub.s32 $0x0, s20;
	[sflag:s22] =	ssyncset.done $0x0  }
0xa2: {  	[sflag:s22] =	ssyncadd.s32 s6;
	_ =	sdelay $0x1  }
0xa3: {  	s23 =	simm.s32 $0x1B8B  }
0xa4: {  	_ =	swait.ge [sflag:s23], $0x1  }
0xa5: {  	[sflag:s23] =	ssyncset.done $0x0  }
0xa6: {  	s25 =	simm.s32 $0x1B8E;
	s24 =	sld [smem:$0x3FFE];
	[sflag:s23] =	ssyncadd.s32 $0xFFFFFFFF  }
0xa7: {  	s26 =	simm.s32 $execute0_lowered;
	[smem:$0x3FD2] =	sst s25  }
0xa8: {  	s7 =	sshll.u32 s26, $0x1;
	_ =	strace $0x80000046;
	[dreg:$0x1] =	wrdreg $0xFFFFFFFF  }
0xa9: {  	s28 =	simm.s32 $_size_execute0_lowered;
	s5 =	sadd.s32 s5, s7;
	[dreg:$0x0] =	wrdreg $0x0  }
0xaa: {  	s7 =	sshll.u32 s28, $0x1;
	[dreg:$0x2] =	wrdreg s5  }
0xab: {  	[dreg:$0x3] =	wrdreg s7  }
0xac: {  	[dreg:$0x4] =	wrdreg $0xC0  }
0xad: {  	_ =	task [dreg:s9], $0x5FFFF  }
0xae: {  	[dreg:$0x1] =	wrdreg $0xFFFFFFFF  }
0xaf: {  	[dreg:$0x0] =	wrdreg $0x60  }
0xb0: {  	[dreg:$0x2] =	wrdreg s2  }
0xb1: {  	[dreg:$0x3] =	wrdreg s18  }
0xb2: {  	[dreg:$0x4] =	wrdreg s24  }
0xb3: {  	[dreg:$0x5] =	wrdreg s4  }
0xb4: {  	[dreg:$0x6] =	wrdreg $0x9  }
0xb5: {  	_ =	task.clear_ibuf [dreg:s9], $0x7FFFF;
	_ =	strace $0x90000046  }
0xb6: {  	s29 =	simm.s32 $0x9;
	_ =	strace $0x80000048  }
0xb7: {  	_ =	swait.ge [sflag:s29], $0x1  }
0xb8: {  	[sflag:s29] =	ssyncadd.s32 $0xFFFFFFFF  }
0xb9: {  	_ =	strace $0x90000048  }
0xba: {  	_ =	sfence  }
0xbb: {  	s30 =	sld [smem:$0x0];
	_ =	sdelay $0x2  }
0xbc: {  	s31 =	sshll.u32 s1, $0xD;
	s1 =	sshrl.u32 s1, $0x2  }
0xbd: {  	s3 =	sand.u32 $0x4000, s31;
	s1 =	sadd.s32 s1, s30  }
0xbe: {  	s0 =	sor.u32 s3, s0;
	s1 =	sshll.u32 s1, $0x11  }
0xbf: {  	s0 =	sor.u32 s1, s0  }
0xc0: {  	s0 =	sadd.s32 $0x8F2B, s0  }
0xc1: {  	[sflag:s0] =	ssyncadd.remote.s32 $0x1  }
0xc2: {  	_ =	sfence.sel $0xFFFF  }
0xc3: {  	[dreg:$0x0] =	wrdreg $0xFFFFFFFF;
	(pc) =	sbr.abs _section_cstart, $3  }
0xc4: {  	[dreg:$0x1] =	wrdreg $0xFFFFFFFF  }
0xc5: {  	_ =	task.clear_ibuf [dreg:s9], $0x2FFFF;
	_ =	strace $0x9FFFFFFF  }
0xc6: {  	(tm) =	ssettm $0x7FFFFFFF  }
0xc7: {  	_ =	shalt  }
tec
execute0_lowered:
.L_overlay_start_1:
0x0: {  	(tag) =	ssettag $0x1  }
0x1: {  	s0 =	rddreg [dreg:$0x0]  }
0x2: {  	s11 =	rddreg [dreg:$0x1]  }
0x3: {  	s2 =	rddreg [dreg:$0x2]  }
0x4: {  	s12 =	rddreg [dreg:$0x3]  }
0x5: {  	s1 =	simm.s32 $0x0;
	s5 =	srdreg.scid;
	s24 =	stileid.u32  }
0x6: {  	s16 =	simm.s32 $0x80;
	s17 =	simm.s32 $0x280;
	s18 =	simm.s32 $0x100  }
0x7: {  	s19 =	simm.s32 $0x300;
	s20 =	simm.s32 $0x180;
	s21 =	simm.s32 $0x380  }
0x8: {  	s22 =	simm.s32 $0x600;
	s23 =	simm.s32 $0x400;
	s28 =	simm.s32 $0x1  }
0x9: {  	s29 =	simm.s32 $0x3;
	s30 =	simm.s32 $0x2;
	s31 =	simm.s32 $0x4  }
0xa: {  	[smem:$0x7FF] =	sst s1;
	s3 =	sadd.s32 $0xE00, s2;
	s4 =	sadd.s32 $0x1F800, s2  }
0xb: {  	s6 =	sadd.s32 $0xC00, s2;
	s5 =	sand.u32 $0x1, s5;
	s8 =	sshll.u32 s24, $0x7  }
0xc: {  	s24 =	simm.s32 $0x500;
	s7 =	ssub.s32 $0x2, s5;
	s5 =	sshll.u32 s5, $0x6  }
0xd: {  	_ =	strace $0x80000047;
	s25 =	sshrl.u32 s7, $0x1;
	s13 =	sor.u32 s5, s8  }
0xe: {  	[dreg:$0x5] =	wrdreg s6;
	s14 =	ssub.s32 s7, s25;
	s5 =	sadd.s32 s0, s13  }
0xf: {  	s26 =	sor.u32 $0x10, s13;
	s9 =	sor.u32 $0x20, s13;
	s15 =	sor.u32 $0x30, s13  }
0x10: {  	s12 =	sadd.s32 s12, s13;
	s25 =	simm.s32 $0x480;
	[dreg:$0x6] =	wrdreg s5  }
0x11: {  	s5 =	sadd.s32 s11, s13;
	s6 =	sadd.s32 s0, s26;
	s7 =	sadd.s32 s11, s26  }
0x12: {  	s8 =	sadd.s32 s0, s9;
	s9 =	sadd.s32 s11, s9;
	s10 =	sadd.s32 s0, s15  }
0x13: {  	s11 =	sadd.s32 s11, s15;
	s13 =	smax.u32 s14, $0x1;
	s14 =	simm.s32 $0x5  }
0x14: {  	s15 =	simm.s32 $0x200;
	s26 =	simm.s32 $0x580;
	s0 =	simm.s32 $0x610  }
.LBB2_1:
0x15: {  	s2 =	rddreg [dreg:$0x6]  }
0x16: {  	[tilespmem:s1], [sflag:$0x5] =	stream.linear.gather [hbm4b:s2+s1], $0x80, $0x38;
	[tilespmem:$0x810] =	vst v63  }
0x17: {  	_ =	swait.ge [sflag:s14], $0x80  }
0x18: {  	[sflag:s14] =	ssyncset.done $0x0  }
0x19: {  	[sflag:s14] =	ssyncadd.s32 $0xFFFFFF80  }
0x1a: {  	[tilespmem:s15], [sflag:$0x5] =	stream.linear.gather [hbm4b:s5+s1], $0x80, $0x38;
	[tilespmem:$0x810] =	vst v63  }
0x1b: {  	_ =	swait.ge [sflag:s14], $0x80  }
0x1c: {  	[sflag:s14] =	ssyncset.done $0x0  }
0x1d: {  	[sflag:s14] =	ssyncadd.s32 $0xFFFFFF80  }
0x1e: {  	[tilespmem:s16], [sflag:$0x5] =	stream.linear.gather [hbm4b:s6+s1], $0x80, $0x38;
	[tilespmem:$0x810] =	vst v63  }
0x1f: {  	_ =	swait.ge [sflag:s14], $0x80  }
0x20: {  	[sflag:s14] =	ssyncset.done $0x0  }
0x21: {  	[sflag:s14] =	ssyncadd.s32 $0xFFFFFF80  }
0x22: {  	[tilespmem:s17], [sflag:$0x5] =	stream.linear.gather [hbm4b:s7+s1], $0x80, $0x38;
	[tilespmem:$0x810] =	vst v63  }
0x23: {  	_ =	swait.ge [sflag:s14], $0x80  }
0x24: {  	[sflag:s14] =	ssyncset.done $0x0  }
0x25: {  	[sflag:s14] =	ssyncadd.s32 $0xFFFFFF80  }
0x26: {  	[tilespmem:s18], [sflag:$0x5] =	stream.linear.gather [hbm4b:s8+s1], $0x80, $0x38;
	[tilespmem:$0x810] =	vst v63  }
0x27: {  	_ =	swait.ge [sflag:s14], $0x80  }
0x28: {  	[sflag:s14] =	ssyncset.done $0x0  }
0x29: {  	[sflag:s14] =	ssyncadd.s32 $0xFFFFFF80  }
0x2a: {  	[tilespmem:s19], [sflag:$0x5] =	stream.linear.gather [hbm4b:s9+s1], $0x80, $0x38;
	[tilespmem:$0x810] =	vst v63  }
0x2b: {  	_ =	swait.ge [sflag:s14], $0x80  }
0x2c: {  	[sflag:s14] =	ssyncset.done $0x0  }
0x2d: {  	[sflag:s14] =	ssyncadd.s32 $0xFFFFFF80  }
0x2e: {  	[tilespmem:s20], [sflag:$0x5] =	stream.linear.gather [hbm4b:s10+s1], $0x80, $0x38;
	[tilespmem:$0x810] =	vst v63  }
0x2f: {  	_ =	swait.ge [sflag:s14], $0x80  }
0x30: {  	[sflag:s14] =	ssyncset.done $0x0  }
0x31: {  	[sflag:s14] =	ssyncadd.s32 $0xFFFFFF80  }
0x32: {  	[tilespmem:s21], [sflag:$0x5] =	stream.linear.gather [hbm4b:s11+s1], $0x80, $0x38;
	[tilespmem:$0x810] =	vst v63  }
0x33: {  	_ =	swait.ge [sflag:s14], $0x80  }
0x34: {  	[sflag:s14] =	ssyncset.done $0x0  }
0x35: {  	s2 =	rddreg [dreg:$0x5];
	[sflag:s14] =	ssyncadd.s32 $0xFFFFFF80  }
0x36: {  	[tilespmem:s22], [sflag:$0x5] =	stream.linear.gather [hbm4b:s2+s1], $0x10, $0x38;
	[tilespmem:$0x810] =	vst v63  }
0x37: {  	_ =	swait.ge [sflag:s14], $0x10  }
0x38: {  	[sflag:s14] =	ssyncset.done $0x0  }
0x39: {  	[sflag:s14] =	ssyncadd.s32 $0xFFFFFFF0  }
0x3a: {  	v0 =	vld.msk [tilespmem:$0x600 ss:$0x0], $0xffff;
	[tilespmem:s23], [sflag:$0x1] =	stream.indirect.gather [hbm4b:s3+s16], $0x1, s1, s16, $0xb8  }
0x3b: {  	_ = 	snop  }
0x3c: {  	[tilespmem:s24], [sflag:$0x3] =	stream.indirect.gather [hbm4b:s4+s16], $0x1, s15, s16, $0xb8;
	[tilespmem:$0x810] =	vst v63  }
0x3d: {  	_ = 	snop  }
0x3e: {  	[tilespmem:s25], [sflag:$0x2] =	stream.indirect.gather [hbm4b:s3+s16], $0x1, s16, s16, $0xb8;
	[tilespmem:$0x810] =	vst v63  }
0x3f: {  	_ = 	snop  }
0x40: {  	[tilespmem:s26], [sflag:$0x4] =	stream.indirect.gather [hbm4b:s4+s16], $0x1, s17, s16, $0xb8;
	[tilespmem:$0x810] =	vst v63  }
0x41: {  	_ =	swait.ge [sflag:s28], $0x80  }
0x42: {  	[sflag:s28] =	ssyncset.done $0x0  }
0x43: {  	[sflag:s28] =	ssyncadd.s32 $0xFFFFFF80  }
0x44: {  	_ =	swait.ge [sflag:s29], $0x80  }
0x45: {  	[sflag:s29] =	ssyncset.done $0x0  }
0x46: {  	[sflag:s29] =	ssyncadd.s32 $0xFFFFFF80  }
0x47: {  	v1 =	vld [tilespmem:$0x400]  }
0x48: {  	v2 =	vld [tilespmem:$0x500]  }
0x49: {  	v3 =	vld [tilespmem:$0x410]  }
0x4a: {  	v4 =	vld [tilespmem:$0x510]  }
0x4b: {  	v5 =	vld [tilespmem:$0x420]  }
0x4c: {  	v6 =	vld [tilespmem:$0x520]  }
0x4d: {  	v7 =	vld [tilespmem:$0x430]  }
0x4e: {  	v8 =	vld [tilespmem:$0x530]  }
0x4f: {  	v9 =	vld [tilespmem:$0x440]  }
0x50: {  	v10 =	vld [tilespmem:$0x540]  }
0x51: {  	v11 =	vld [tilespmem:$0x450]  }
0x52: {  	v12 =	vld [tilespmem:$0x550]  }
0x53: {  	v13 =	vld [tilespmem:$0x460]  }
0x54: {  	v36 =	vld [tilespmem:$0x560];
	v1 =	vadd.f32 v2, v1  }
0x55: {  	v37 =	vld [tilespmem:$0x470];
	v3 =	vadd.f32 v4, v3  }
0x56: {  	v38 =	vld [tilespmem:$0x570];
	v5 =	vadd.f32 v6, v5;
	v1 =	vadd.f32 v1, v0  }
0x57: {  	v7 =	vadd.f32 v8, v7;
	v3 =	vadd.f32 v3, v0  }
0x58: {  	v40 =	vadd.f32 v10, v9;
	v39 =	vadd.f32 v5, v0;
	[tilespmem:$0x610] =	vst v1  }
0x59: {  	v42 =	vadd.f32 v12, v11;
	v41 =	vadd.f32 v7, v0;
	[tilespmem:$0x620] =	vst v3  }
0x5a: {  	v2 =	vadd.f32 v36, v13;
	v43 =	vadd.f32 v40, v0;
	[tilespmem:$0x630] =	vst v39  }
0x5b: {  	v4 =	vadd.f32 v38, v37;
	v44 =	vadd.f32 v42, v0;
	[tilespmem:$0x640] =	vst v41  }
0x5c: {  	v45 =	vadd.f32 v2, v0;
	[tilespmem:$0x650] =	vst v43  }
0x5d: {  	v46 =	vadd.f32 v4, v0;
	[tilespmem:$0x660] =	vst v44  }
0x5e: {  	[tilespmem:$0x670] =	vst v45  }
0x5f: {  	[tilespmem:$0x680] =	vst v46  }
0x60: {  	[tilespmem:s23], [sflag:$0x1] =	stream.indirect.gather [hbm4b:s3+s16], $0x1, s18, s16, $0xb8;
	[tilespmem:$0x810] =	vst v63  }
0x61: {  	_ = 	snop  }
0x62: {  	[tilespmem:s24], [sflag:$0x3] =	stream.indirect.gather [hbm4b:s4+s16], $0x1, s19, s16, $0xb8;
	[tilespmem:$0x810] =	vst v63  }
0x63: {  	_ =	swait.ge [sflag:s30], $0x80  }
0x64: {  	[sflag:s30] =	ssyncset.done $0x0  }
0x65: {  	[sflag:s30] =	ssyncadd.s32 $0xFFFFFF80  }
0x66: {  	_ =	swait.ge [sflag:s31], $0x80  }
0x67: {  	[sflag:s31] =	ssyncset.done $0x0  }
0x68: {  	[sflag:s31] =	ssyncadd.s32 $0xFFFFFF80  }
0x69: {  	v47 =	vld [tilespmem:$0x480]  }
0x6a: {  	v48 =	vld [tilespmem:$0x580]  }
0x6b: {  	v49 =	vld [tilespmem:$0x490]  }
0x6c: {  	v50 =	vld [tilespmem:$0x590]  }
0x6d: {  	v51 =	vld [tilespmem:$0x4A0]  }
0x6e: {  	v52 =	vld [tilespmem:$0x5A0]  }
0x6f: {  	v53 =	vld [tilespmem:$0x4B0]  }
0x70: {  	v54 =	vld [tilespmem:$0x5B0]  }
0x71: {  	v55 =	vld [tilespmem:$0x4C0]  }
0x72: {  	v56 =	vld [tilespmem:$0x5C0]  }
0x73: {  	v57 =	vld [tilespmem:$0x4D0]  }
0x74: {  	v58 =	vld [tilespmem:$0x5D0]  }
0x75: {  	v59 =	vld [tilespmem:$0x4E0]  }
0x76: {  	v60 =	vld [tilespmem:$0x5E0];
	v1 =	vadd.f32 v48, v47  }
0x77: {  	v61 =	vld [tilespmem:$0x4F0];
	v3 =	vadd.f32 v50, v49  }
0x78: {  	v62 =	vld [tilespmem:$0x5F0];
	v5 =	vadd.f32 v52, v51;
	v1 =	vadd.f32 v1, v0  }
0x79: {  	v7 =	vadd.f32 v54, v53;
	v3 =	vadd.f32 v3, v0  }
0x7a: {  	v14 =	vadd.f32 v56, v55;
	v63 =	vadd.f32 v5, v0;
	[tilespmem:$0x690] =	vst v1  }
0x7b: {  	v16 =	vadd.f32 v58, v57;
	v15 =	vadd.f32 v7, v0;
	[tilespmem:$0x6A0] =	vst v3  }
0x7c: {  	v2 =	vadd.f32 v60, v59;
	v17 =	vadd.f32 v14, v0;
	[tilespmem:$0x6B0] =	vst v63  }
0x7d: {  	v4 =	vadd.f32 v62, v61;
	v18 =	vadd.f32 v16, v0;
	[tilespmem:$0x6C0] =	vst v15  }
0x7e: {  	v19 =	vadd.f32 v2, v0;
	[tilespmem:$0x6D0] =	vst v17  }
0x7f: {  	v20 =	vadd.f32 v4, v0;
	[tilespmem:$0x6E0] =	vst v18  }
0x80: {  	[tilespmem:$0x6F0] =	vst v19  }
0x81: {  	[tilespmem:$0x700] =	vst v20  }
0x82: {  	[tilespmem:s25], [sflag:$0x2] =	stream.indirect.gather [hbm4b:s3+s16], $0x1, s20, s16, $0xb8;
	[tilespmem:$0x810] =	vst v63  }
0x83: {  	_ = 	snop  }
0x84: {  	[tilespmem:s26], [sflag:$0x4] =	stream.indirect.gather [hbm4b:s4+s16], $0x1, s21, s16, $0xb8;
	[tilespmem:$0x810] =	vst v63  }
0x85: {  	_ =	swait.ge [sflag:s28], $0x80  }
0x86: {  	[sflag:s28] =	ssyncset.done $0x0  }
0x87: {  	[sflag:s28] =	ssyncadd.s32 $0xFFFFFF80  }
0x88: {  	_ =	swait.ge [sflag:s29], $0x80  }
0x89: {  	[sflag:s29] =	ssyncset.done $0x0  }
0x8a: {  	[sflag:s29] =	ssyncadd.s32 $0xFFFFFF80  }
0x8b: {  	v21 =	vld [tilespmem:$0x400]  }
0x8c: {  	v22 =	vld [tilespmem:$0x500]  }
0x8d: {  	v23 =	vld [tilespmem:$0x410]  }
0x8e: {  	v24 =	vld [tilespmem:$0x510]  }
0x8f: {  	v25 =	vld [tilespmem:$0x420]  }
0x90: {  	v26 =	vld [tilespmem:$0x520]  }
0x91: {  	v27 =	vld [tilespmem:$0x430]  }
0x92: {  	v28 =	vld [tilespmem:$0x530]  }
0x93: {  	v29 =	vld [tilespmem:$0x440]  }
0x94: {  	v30 =	vld [tilespmem:$0x540]  }
0x95: {  	v31 =	vld [tilespmem:$0x450]  }
0x96: {  	v32 =	vld [tilespmem:$0x550]  }
0x97: {  	v33 =	vld [tilespmem:$0x460]  }
0x98: {  	v34 =	vld [tilespmem:$0x560];
	v1 =	vadd.f32 v22, v21  }
0x99: {  	v35 =	vld [tilespmem:$0x470];
	v3 =	vadd.f32 v24, v23  }
0x9a: {  	v36 =	vld [tilespmem:$0x570];
	v5 =	vadd.f32 v26, v25;
	v1 =	vadd.f32 v1, v0  }
0x9b: {  	v7 =	vadd.f32 v28, v27;
	v3 =	vadd.f32 v3, v0  }
0x9c: {  	v38 =	vadd.f32 v30, v29;
	v37 =	vadd.f32 v5, v0;
	[tilespmem:$0x710] =	vst v1  }
0x9d: {  	v40 =	vadd.f32 v32, v31;
	v39 =	vadd.f32 v7, v0;
	[tilespmem:$0x720] =	vst v3  }
0x9e: {  	v2 =	vadd.f32 v34, v33;
	v41 =	vadd.f32 v38, v0;
	[tilespmem:$0x730] =	vst v37  }
0x9f: {  	v4 =	vadd.f32 v36, v35;
	v42 =	vadd.f32 v40, v0;
	[tilespmem:$0x740] =	vst v39  }
0xa0: {  	v43 =	vadd.f32 v2, v0;
	[tilespmem:$0x750] =	vst v41  }
0xa1: {  	v44 =	vadd.f32 v4, v0;
	[tilespmem:$0x760] =	vst v42  }
0xa2: {  	[tilespmem:$0x770] =	vst v43  }
0xa3: {  	[tilespmem:$0x780] =	vst v44  }
0xa4: {  	_ =	swait.ge [sflag:s30], $0x80  }
0xa5: {  	[sflag:s30] =	ssyncset.done $0x0  }
0xa6: {  	[sflag:s30] =	ssyncadd.s32 $0xFFFFFF80  }
0xa7: {  	_ =	swait.ge [sflag:s31], $0x80  }
0xa8: {  	[sflag:s31] =	ssyncset.done $0x0  }
0xa9: {  	[sflag:s31] =	ssyncadd.s32 $0xFFFFFF80  }
0xaa: {  	v45 =	vld [tilespmem:$0x480]  }
0xab: {  	v46 =	vld [tilespmem:$0x580]  }
0xac: {  	v47 =	vld [tilespmem:$0x490]  }
0xad: {  	v48 =	vld [tilespmem:$0x590]  }
0xae: {  	v49 =	vld [tilespmem:$0x4A0]  }
0xaf: {  	v50 =	vld [tilespmem:$0x5A0]  }
0xb0: {  	v51 =	vld [tilespmem:$0x4B0]  }
0xb1: {  	v52 =	vld [tilespmem:$0x5B0]  }
0xb2: {  	v53 =	vld [tilespmem:$0x4C0]  }
0xb3: {  	v54 =	vld [tilespmem:$0x5C0]  }
0xb4: {  	v55 =	vld [tilespmem:$0x4D0]  }
0xb5: {  	v57 =	vld [tilespmem:$0x4E0]  }
0xb6: {  	v58 =	vld [tilespmem:$0x5E0]  }
0xb7: {  	v56 =	vld [tilespmem:$0x5D0];
	v1 =	vadd.f32 v46, v45  }
0xb8: {  	v59 =	vld [tilespmem:$0x4F0];
	v3 =	vadd.f32 v48, v47  }
0xb9: {  	v60 =	vld [tilespmem:$0x5F0];
	v5 =	vadd.f32 v50, v49;
	v1 =	vadd.f32 v1, v0  }
0xba: {  	v7 =	vadd.f32 v52, v51;
	v3 =	vadd.f32 v3, v0  }
0xbb: {  	v2 =	vadd.f32 v58, v57;
	v5 =	vadd.f32 v5, v0;
	[tilespmem:$0x790] =	vst v1  }
0xbc: {  	v61 =	vadd.f32 v54, v53;
	v7 =	vadd.f32 v7, v0;
	[tilespmem:$0x7A0] =	vst v3  }
0xbd: {  	v62 =	vadd.f32 v56, v55;
	v63 =	vadd.f32 v2, v0;
	[tilespmem:$0x7B0] =	vst v5  }
0xbe: {  	v4 =	vadd.f32 v60, v59;
	v1 =	vadd.f32 v61, v0;
	[tilespmem:$0x7C0] =	vst v7  }
0xbf: {  	v3 =	vadd.f32 v62, v0;
	[tilespmem:$0x7F0] =	vst v63  }
0xc0: {  	v0 =	vadd.f32 v4, v0;
	[tilespmem:$0x7D0] =	vst v1  }
0xc1: {  	p0 =	sne.s32 s13, $0x1;
	[tilespmem:$0x7E0] =	vst v3  }
.Ltmp0:
0xc2: {  	[tilespmem:$0x800] =	vst v0;
	(pc) =	sbr.rel @p0 .LBB2_1-.Ltmp0, $4  }
0xc3: {  	[hbm4b:s12+s1] =	stream.linear.scatter [tilespmem:s0], [sflag:$0x5], $0x200, $0x38;
	[tilespmem:$0x810] =	vst v63  }
0xc4: {  	_ =	swait.ge [sflag:s14], $0x200  }
0xc5: {  	[sflag:s14] =	ssyncset.done $0x0  }
0xc6: {  	s13 =	sadd.s32 $0xFFFFFFFF, s13;
	[sflag:s14] =	ssyncadd.s32 $0xFFFFFE00  }
0xc7: {  	_ =	sfence.sel $0x180000  }
0xc8: {  	[bflag:$0x0] =	sbarrier.arrive $0xFFFF  }
0xc9: {  	_ =	strace $0x90000047  }
0xca: {  	s0 =	stileid.u32;
	[bflag:$0x2] =	sbarrier.arrive $0xFFFF  }
0xcb: {  	p0 =	sne.s32 s0, $0x0;
	s0 =	rddreg [dreg:$0x4]  }
0xcc: {  	s0 =	sadd.s32 @!p0 $0x100000, s0  }
0xcd: {  	[sflag:s0] =	ssyncadd.tile.s32 @!p0 $0x1;
	_ =	shalt  }
.Lfunc_end2:
_tile_overlayer_lowered:
.L_overlay_start_2:
0xce: {  	(tag) =	ssettag $0x2  }
0xcf: {  	s0 =	rddreg [dreg:$0x0];
	s2 =	stileid.u32  }
0xd0: {  	s1 =	rddreg [dreg:$0x1];
	p0 =	sne.s32 s2, $0x0  }
0xd1: {  	s3 =	rddreg [dreg:$0x2];
	[bflag:$0x3] =	sbarrier.arrive $0xFFFF;
	s2 =	simm.s32 @!p0 $0x1C05  }
0xd2: {  	[timem:s3], [sflag:s2] =	dma.local @!p0 [hbm:s0], s1  }
0xd3: {  	s0 =	simm.s32 @!p0 $0x5  }
0xd4: {  	_ =	swait.ge @!p0 [sflag:s0], s1  }
0xd5: {  	s1 =	ssub.s32 @!p0 $0x0, s1;
	[sflag:s0] =	ssyncset.done @!p0 $0x0  }
0xd6: {  	[sflag:s0] =	ssyncadd.s32 @!p0 s1  }
0xd7: {  	[bflag:$0x3] =	sbarrier.arrive $0xFFFF  }
0xd8: {  	_ =	shalt  }

</sc_bundles>
